<compile_context>
chip_gen: v7x
topology: tpu7x:2x2x1
jax: 0.10.2.dev20260603
libtpu: 0.0.44.dev20260713+nightly
codegen_flags: <defaults>
</compile_context>

<pallas_src>
import functools

import jax
import jax.numpy as jnp
from jax import lax
from jax.experimental import pallas as pl
from jax.experimental.pallas import tpu as pltpu
from jax.experimental.pallas import tpu_sc as plsc

EMBED = 2048
NEXP = 16
S_BLK = 1024
CAP = 512


def _scores_body(x_ref, w_ref, o_ref):
    x = x_ref[0]
    w = w_ref[...]
    logits = jax.lax.dot_general(w, x, (((1,), (1,)), ((), ())))
    m = jnp.max(logits, axis=0, keepdims=True)
    e = jnp.exp(logits - m)
    s = e[0:1]
    for k in range(1, NEXP):
        s = s + e[k:k + 1]
    o_ref[0] = e / s


def _scores(hidden_states, weight):
    B, S, d = hidden_states.shape
    grid = (B, S // S_BLK)
    return pl.pallas_call(
        _scores_body,
        grid=grid,
        in_specs=[
            pl.BlockSpec((1, S_BLK, d), lambda b, sb: (b, sb, 0)),
            pl.BlockSpec((NEXP, d), lambda b, sb: (0, 0)),
        ],
        out_specs=pl.BlockSpec((1, NEXP, S_BLK), lambda b, sb: (b, 0, sb)),
        out_shape=jax.ShapeDtypeStruct((B, NEXP, S), jnp.float32),
    )(hidden_states, weight)


def _popcnt(mask):
    return plsc.all_reduce_population_count(mask)


def _lane_gather(x, idx):
    return lax.gather(
        x, idx[:, None],
        dimension_numbers=lax.GatherDimensionNumbers(
            offset_dims=(), collapsed_slice_dims=(0,), start_index_map=(0,)),
        slice_sizes=(1,),
        mode=lax.GatherScatterMode.PROMISE_IN_BOUNDS)


def _find_thresh(histref, target_v):
    iota = lax.iota(jnp.int32, 16)
    zeros = jnp.zeros((16,), jnp.int32)
    fifteen = jnp.full((16,), 15, jnp.int32)

    def body(j, carry):
        runv, bestv, cntv = carry
        i = 63 - j
        h = histref[pl.ds(i * 16, 16)]
        histref[pl.ds(i * 16, 16)] = zeros
        d = plsc.cumsum(lax.rev(h, (0,)))
        sfx = lax.rev(d, (0,)) + runv
        mask = sfx >= target_v
        idxs = iota + i * 16
        bestv = jnp.maximum(bestv, jnp.where(mask, idxs, -1))
        cntv = jnp.maximum(cntv, jnp.where(mask, -1, sfx))
        runv = runv + _lane_gather(d, fifteen)
        return runv, bestv, cntv

    init = (zeros, jnp.full((16,), -1, jnp.int32), zeros)
    _, bestv, cntv = plsc.parallel_loop(0, 64, carry=init)(body)
    best = jnp.full((16,), jnp.max(bestv, axis=0), jnp.int32)
    cnt = jnp.full((16,), jnp.maximum(jnp.max(cntv, axis=0), 0), jnp.int32)
    return best, cnt


def _sc_topk(scores_flat):
    R, S = scores_flat.shape
    NV = S // 16
    rows_per_worker = R // 32
    mesh = plsc.VectorSubcoreMesh(core_axis_name="c", subcore_axis_name="s")

    @functools.partial(
        pl.kernel, mesh=mesh,
        out_type=(jax.ShapeDtypeStruct((R, CAP), jnp.int32),
                  jax.ShapeDtypeStruct((R, CAP), jnp.float32)),
        scratch_types=[
            pltpu.VMEM((S,), jnp.float32),
            pltpu.VMEM((1024,), jnp.int32),
            pltpu.VMEM((S,), jnp.int32),
            pltpu.VMEM((S,), jnp.int32),
            pltpu.VMEM((CAP,), jnp.int32),
            pltpu.VMEM((CAP,), jnp.int32),
            pltpu.VMEM((CAP,), jnp.int32),
            pltpu.VMEM((CAP,), jnp.int32),
            pltpu.VMEM((CAP,), jnp.float32),
            pltpu.VMEM((64,), jnp.int32),
            pltpu.VMEM((64,), jnp.int32),
        ],
        compiler_params=pltpu.CompilerParams(needs_layout_passes=False),
    )
    def topk_kernel(x_hbm, idx_hbm, w_hbm, key_f, hist, cand_k, cand_i,
                    selA_k, selA_i, selB_k, selB_i, sel_kf, h64, off64):
        wid = lax.axis_index("s") * 2 + lax.axis_index("c")
        iota = lax.iota(jnp.int32, 16)
        ones = jnp.ones((16,), jnp.int32)
        zeros = jnp.zeros((16,), jnp.int32)
        capv = jnp.full((16,), CAP, jnp.int32)

        def zero_hist(i):
            hist[pl.ds(i * 16, 16)] = zeros
        plsc.parallel_loop(0, 64, unroll=4)(zero_hist)

        def do_row(r, _):
            row = wid * rows_per_worker + r
            pltpu.sync_copy(x_hbm.at[row], key_f)

            def hist1(i):
                v = plsc.bitcast(key_f[pl.ds(i * 16, 16)], jnp.int32)
                plsc.addupdate_scatter(hist, [v >> 20], ones)
            plsc.parallel_loop(0, NV, unroll=4)(hist1)

            b1, _ = _find_thresh(hist, capv)

            def compact1(i, carry):
                rgv, rqv = carry
                v = plsc.bitcast(key_f[pl.ds(i * 16, 16)], jnp.int32)
                d = v >> 20
                gidx = iota + i * 16
                mgt = d > b1
                meq = d == b1
                cg = plsc.cumsum(jnp.where(mgt, 1, 0))
                ce = plsc.cumsum(jnp.where(meq, 1, 0))
                pg = rgv + cg - 1
                pe = rqv + ce - 1
                plsc.store_scatter(selA_k, [pg], v, mask=mgt)
                plsc.store_scatter(selA_i, [pg], gidx, mask=mgt)
                plsc.store_scatter(cand_k, [pe], v, mask=meq)
                plsc.store_scatter(cand_i, [pe], gidx, mask=meq)
                plsc.addupdate_scatter(hist, [(v >> 10) & 0x3FF], ones,
                                       mask=meq)
                return rgv + _popcnt(mgt), rqv + _popcnt(meq)
            rgv, n1v = plsc.parallel_loop(
                0, NV, unroll=2, carry=(zeros, zeros))(compact1)

            b2, _ = _find_thresh(hist, capv - rgv)

            n1 = jnp.max(n1v, axis=0)
            nv1 = (n1 + 15) >> 4

            def compact2(i, carry):
                rgv, rqv = carry
                v = cand_k[pl.ds(i * 16, 16)]
                gi = cand_i[pl.ds(i * 16, 16)]
                ok = (iota + i * 16) < n1v
                d = (v >> 10) & 0x3FF
                mgt = ok & (d > b2)
                meq = ok & (d == b2)
                cg = plsc.cumsum(jnp.where(mgt, 1, 0))
                ce = plsc.cumsum(jnp.where(meq, 1, 0))
                pg = rgv + cg - 1
                pe = rqv + ce - 1
                plsc.store_scatter(selA_k, [pg], v, mask=mgt)
                plsc.store_scatter(selA_i, [pg], gi, mask=mgt)
                plsc.store_scatter(cand_k, [pe], v, mask=meq)
                plsc.store_scatter(cand_i, [pe], gi, mask=meq)
                plsc.addupdate_scatter(hist, [v & 0x3FF], ones, mask=meq)
                return rgv + _popcnt(mgt), rqv + _popcnt(meq)
            rgv2, n2v = lax.fori_loop(0, nv1, compact2, (rgv, zeros))

            r2v = capv - rgv2
            b3, cnt3 = _find_thresh(hist, r2v)
            eq_base = capv - (r2v - cnt3)

            n2 = jnp.max(n2v, axis=0)
            nv2 = (n2 + 15) >> 4

            def compact3(i, carry):
                rgv, rqv = carry
                v = cand_k[pl.ds(i * 16, 16)]
                gi = cand_i[pl.ds(i * 16, 16)]
                ok = (iota + i * 16) < n2v
                d = v & 0x3FF
                mgt = ok & (d > b3)
                meq = ok & (d == b3)
                cg = plsc.cumsum(jnp.where(mgt, 1, 0))
                ce = plsc.cumsum(jnp.where(meq, 1, 0))
                pg = rgv + cg - 1
                pe = eq_base + rqv + ce - 1
                mst = meq & (pe < capv)
                plsc.store_scatter(selA_k, [pg], v, mask=mgt)
                plsc.store_scatter(selA_i, [pg], gi, mask=mgt)
                plsc.store_scatter(selA_k, [pe], v, mask=mst)
                plsc.store_scatter(selA_i, [pe], gi, mask=mst)
                return rgv + _popcnt(mgt), rqv + _popcnt(meq)
            lax.fori_loop(0, nv2, compact3, (rgv2, zeros))

            bufs = [(selA_k, selA_i), (selB_k, selB_i)]
            NPASS = 6
            for p in range(NPASS):
                src_k, src_i = bufs[p % 2]
                dst_k, dst_i = bufs[(p + 1) % 2]
                for q in range(2):
                    h64[pl.ds(q * 16, 16)] = zeros

                def histp(i, src_k=src_k, p=p):
                    k = src_k[pl.ds(i * 16, 16)]
                    d = 31 - ((k >> (5 * p)) & 31)
                    plsc.addupdate_scatter(h64, [d], ones)
                plsc.parallel_loop(0, CAP // 16, unroll=4)(histp)

                tot = zeros
                for q in range(2):
                    hq = h64[pl.ds(q * 16, 16)]
                    cq = plsc.cumsum(hq)
                    off64[pl.ds(q * 16, 16)] = tot + cq - hq
                    tot = tot + _lane_gather(cq, jnp.full((16,), 15,
                                                          jnp.int32))

                def permp(i, _, src_k=src_k, src_i=src_i,
                          dst_k=dst_k, dst_i=dst_i, p=p):
                    k = src_k[pl.ds(i * 16, 16)]
                    gi = src_i[pl.ds(i * 16, 16)]
                    d = 31 - ((k >> (5 * p)) & 31)
                    occ, lastm = plsc.scan_count(d)
                    base = plsc.load_gather(off64, [d])
                    pos = base + occ - 1
                    if p == NPASS - 1:
                        plsc.store_scatter(sel_kf, [pos],
                                           plsc.bitcast(k, jnp.float32))
                    else:
                        plsc.store_scatter(dst_k, [pos], k)
                    plsc.store_scatter(dst_i, [pos], gi)
                    plsc.addupdate_scatter(off64, [d], occ, mask=lastm)
                    return 0
                lax.fori_loop(0, CAP // 16, permp, 0)

            pltpu.sync_copy(sel_kf, w_hbm.at[row])
            pltpu.sync_copy(selA_i, idx_hbm.at[row])
            return 0

        lax.fori_loop(0, rows_per_worker, do_row, 0)

    return topk_kernel(scores_flat)


def kernel(hidden_states, weight):
    B, S, d = hidden_states.shape
    scores = _scores(hidden_states, weight)
    idx_flat, wgt_flat = _sc_topk(scores.reshape(B * NEXP, S))
    return (idx_flat.reshape(B, NEXP, CAP),
            wgt_flat.reshape(B, NEXP, CAP))

# --- scband reference (transcript-rebuilt; emitter-appended) ---
"""Pipeline reference for scband-ec-mo-egate-29729763623448 (READ-ONLY COPY).

The authoritative reference and input builder live on the scoring server;
editing this copy changes nothing except your own understanding.
"""

import jax, jax.numpy as jnp
import numpy as np

EMBED_DIM = 2048
NUM_EXPERTS = 16
F_C = 2.0


def setup_inputs(seed: int = 0) -> dict:
    key = jax.random.key(seed)
    k1, k2 = jax.random.split(key)
    hidden_states = jax.random.normal(k1, (4, 4096, EMBED_DIM), dtype=jnp.float32)
    # kaiming_uniform with a=sqrt(5): bound = sqrt(6 / ((1 + a^2) * fan_in)) = sqrt(1/fan_in)
    bound = float(np.sqrt(1.0 / EMBED_DIM))
    weight = jax.random.uniform(k2, (NUM_EXPERTS, EMBED_DIM), dtype=jnp.float32, minval=-bound, maxval=bound)
    return {"hidden_states": hidden_states, "weight": weight}


def reference(hidden_states, weight):
    B, S, d = hidden_states.shape
    # F.linear(x, W) = x @ W.T  -> (B, S, E)
    logits = jnp.einsum('bsd,ed->bse', hidden_states, weight)
    scores = jax.nn.softmax(logits, axis=-1)
    # transpose to (B, E, S)
    scores = jnp.swapaxes(scores, 1, 2)
    capacity = int(S * F_C / NUM_EXPERTS)
    topk_weight, topk_idx = jax.lax.top_k(scores, capacity)
    return (topk_idx, topk_weight)

if __name__ == "__main__":
    import jax
    _d = setup_inputs()
    print(jax.jit(kernel)(*tuple(_d.values())))

</pallas_src>

<mosaic_0001>
#map = affine_map<(d0, d1) -> (0, 0)>
module attributes {stable_mosaic.version = 14 : i64} {
  func.func @topk_kernel(%arg0: i32, %arg1: i32, %arg2: memref<64x4096xf32, #tpu.memory_space<hbm>>, %arg3: memref<64x512xi32, #tpu.memory_space<hbm>>, %arg4: memref<64x512xf32, #tpu.memory_space<hbm>>, %arg5: memref<4096xf32, #tpu.memory_space<vmem>>, %arg6: memref<1024xi32, #tpu.memory_space<vmem>>, %arg7: memref<4096xi32, #tpu.memory_space<vmem>>, %arg8: memref<4096xi32, #tpu.memory_space<vmem>>, %arg9: memref<512xi32, #tpu.memory_space<vmem>>, %arg10: memref<512xi32, #tpu.memory_space<vmem>>, %arg11: memref<512xi32, #tpu.memory_space<vmem>>, %arg12: memref<512xi32, #tpu.memory_space<vmem>>, %arg13: memref<512xf32, #tpu.memory_space<vmem>>, %arg14: memref<64xi32, #tpu.memory_space<vmem>>, %arg15: memref<64xi32, #tpu.memory_space<vmem>>) attributes {dimension_semantics = [#tpu.dimension_semantics<core_parallel>, #tpu.dimension_semantics<subcore_parallel>], iteration_bounds = array<i64: 2, 16>, scalar_prefetch = 0 : i64, scratch_operands = 11 : i64, tpu.core_type = #tpu.core_type<sc_vector_subcore>, window_params = [{transform_indices = #map}, {transform_indices = #map}, {transform_indices = #map}]} {
    %mul3A = arith.constant 2 : i32
    %mul3A_0 = arith.muli %arg1, %mul3A : i32
    %add3A = arith.addi %mul3A_0, %arg0 : i32
    %iota3A = tpu.iota {dimensions = array<i32: 0>} : vector<16xi32>
    %broadcast_in_dim3A = arith.constant 1 : i32
    %broadcast_in_dim3A_1 = vector.broadcast %broadcast_in_dim3A : i32 to vector<16xi32>
    %broadcast_in_dim3A_2 = arith.constant 0 : i32
    %broadcast_in_dim3A_3 = vector.broadcast %broadcast_in_dim3A_2 : i32 to vector<16xi32>
    %broadcast_in_dim3A_4 = arith.constant 512 : i32
    %broadcast_in_dim3A_5 = vector.broadcast %broadcast_in_dim3A_4 : i32 to vector<16xi32>
    %parallel_loop3A = arith.constant 0 : i32
    %parallel_loop3A_6 = arith.constant 64 : i32
    %parallel_loop3A_7 = arith.constant 1 : i32
    scf.for %parallel_loop3A_14 = %parallel_loop3A to %parallel_loop3A_6 step %parallel_loop3A_7  : i32 {
      %parallel_loop3A_15 = arith.constant 16 : i32
      %parallel_loop3A_16 = arith.muli %parallel_loop3A_14, %parallel_loop3A_15 : i32
      %parallel_loop3A_17 = arith.index_cast %parallel_loop3A_16 : i32 to index
      %parallel_loop3A_18 = tpu.vector_load %arg6[%parallel_loop3A_17] {strides = array<i32>} : memref<1024xi32, #tpu.memory_space<vmem>>, vector<16xi32>,
      tpu.vector_store %arg6[%parallel_loop3A_17], %broadcast_in_dim3A_3 {strides = array<i32>} : memref<1024xi32, #tpu.memory_space<vmem>>, vector<16xi32>,
    } {sc.loop_unroll_factor = 4 : i64, sc.parallel_access}
    %scan3A = arith.constant 0 : i32
    %scan3A_8 = arith.constant 0 : i32
    %scan3A_9 = arith.constant 2 : i32
    %scan3A_10 = arith.addi %scan3A_8, %scan3A_9 : i32
    %scan3A_11 = arith.constant 1 : i32
    %scan3A_12 = scf.for %scan3A_14 = %scan3A_8 to %scan3A_10 step %scan3A_11 iter_args(%scan3A_15 = %scan3A) -> (i32)  : i32 {
      %mul3A_16 = arith.constant 2 : i32
      %mul3A_17 = arith.muli %add3A, %mul3A_16 : i32
      %add3A_18 = arith.addi %mul3A_17, %scan3A_14 : i32
      "tpu.region"() ({
        %run_scoped3A = tpu.sem_alloc : memref<!tpu.dma_semaphore, #tpu.memory_space<semaphore_mem>>
        %dma_start3A = arith.constant 0 : i32
        %dma_start3A_425 = tpu.memref_slice %arg2[%add3A_18, %dma_start3A] : memref<64x4096xf32, #tpu.memory_space<hbm>> -> memref<1x4096xf32, #tpu.memory_space<hbm>>
        %dma_start3A_426 = tpu.memref_squeeze %dma_start3A_425 : memref<1x4096xf32, #tpu.memory_space<hbm>> -> memref<4096xf32, #tpu.memory_space<hbm>>
        %dma_start3A_427 = arith.constant 0 : i32
        %dma_start3A_428 = tpu.memref_slice %arg2[%add3A_18, %dma_start3A_427] : memref<64x4096xf32, #tpu.memory_space<hbm>> -> memref<1x4096xf32, #tpu.memory_space<hbm>>
        %dma_start3A_429 = tpu.memref_squeeze %dma_start3A_428 : memref<1x4096xf32, #tpu.memory_space<hbm>> -> memref<4096xf32, #tpu.memory_space<hbm>>
        tpu.enqueue_dma source(%dma_start3A_429 : memref<4096xf32, #tpu.memory_space<hbm>>) target(%arg5 : memref<4096xf32, #tpu.memory_space<vmem>>) target_semaphore(%run_scoped3A : memref<!tpu.dma_semaphore, #tpu.memory_space<semaphore_mem>>)
        %dma_wait3A = arith.constant 0 : i32
        %dma_wait3A_430 = tpu.memref_slice %arg2[%add3A_18, %dma_wait3A] : memref<64x4096xf32, #tpu.memory_space<hbm>> -> memref<1x4096xf32, #tpu.memory_space<hbm>>
        %dma_wait3A_431 = tpu.memref_squeeze %dma_wait3A_430 : memref<1x4096xf32, #tpu.memory_space<hbm>> -> memref<4096xf32, #tpu.memory_space<hbm>>
        %dma_wait3A_432 = arith.constant 0 : i32
        %dma_wait3A_433 = tpu.memref_slice %arg2[%add3A_18, %dma_wait3A_432] : memref<64x4096xf32, #tpu.memory_space<hbm>> -> memref<1x4096xf32, #tpu.memory_space<hbm>>
        %dma_wait3A_434 = tpu.memref_squeeze %dma_wait3A_433 : memref<1x4096xf32, #tpu.memory_space<hbm>> -> memref<4096xf32, #tpu.memory_space<hbm>>
        tpu.wait_dma2 semaphore(%run_scoped3A : memref<!tpu.dma_semaphore, #tpu.memory_space<semaphore_mem>>) src(%dma_wait3A_434 : memref<4096xf32, #tpu.memory_space<hbm>>) dst(%arg5 : memref<4096xf32, #tpu.memory_space<vmem>>)
        tpu.yield
      }) : () -> ()
      %parallel_loop3A_19 = arith.constant 0 : i32
      %parallel_loop3A_20 = arith.constant 256 : i32
      %parallel_loop3A_21 = arith.constant 1 : i32
      scf.for %parallel_loop3A_425 = %parallel_loop3A_19 to %parallel_loop3A_20 step %parallel_loop3A_21  : i32 {
        %parallel_loop3A_426 = arith.constant 16 : i32
        %parallel_loop3A_427 = arith.muli %parallel_loop3A_425, %parallel_loop3A_426 : i32
        %parallel_loop3A_428 = arith.index_cast %parallel_loop3A_427 : i32 to index
        %parallel_loop3A_429 = tpu.vector_load %arg5[%parallel_loop3A_428] {strides = array<i32>} : memref<4096xf32, #tpu.memory_space<vmem>>, vector<16xf32>,
        %parallel_loop3A_430 = vector.bitcast %parallel_loop3A_429 : vector<16xf32> to vector<16xi32>
        %parallel_loop3A_431 = arith.constant 20 : i32
        %parallel_loop3A_432 = vector.broadcast %parallel_loop3A_431 : i32 to vector<16xi32>
        %parallel_loop3A_433 = arith.shrsi %parallel_loop3A_430, %parallel_loop3A_432 : vector<16xi32>
        tpu.vector_store_idx %arg6[%parallel_loop3A_433], %broadcast_in_dim3A_1 {add = true} : memref<1024xi32, #tpu.memory_space<vmem>>[vector<16xi32>], vector<16xi32>,
      } {sc.loop_unroll_factor = 4 : i64, sc.parallel_access}
      %iota3A_22 = tpu.iota {dimensions = array<i32: 0>} : vector<16xi32>
      %broadcast_in_dim3A_23 = arith.constant 0 : i32
      %broadcast_in_dim3A_24 = vector.broadcast %broadcast_in_dim3A_23 : i32 to vector<16xi32>
      %broadcast_in_dim3A_25 = arith.constant 15 : i32
      %broadcast_in_dim3A_26 = vector.broadcast %broadcast_in_dim3A_25 : i32 to vector<16xi32>
      %broadcast_in_dim3A_27 = arith.constant -1 : i32
      %broadcast_in_dim3A_28 = vector.broadcast %broadcast_in_dim3A_27 : i32 to vector<16xi32>
      %parallel_loop3A_29 = arith.constant 0 : i32
      %parallel_loop3A_30 = arith.constant 64 : i32
      %parallel_loop3A_31 = arith.constant 1 : i32
      %parallel_loop3A_32:3 = scf.for %parallel_loop3A_425 = %parallel_loop3A_29 to %parallel_loop3A_30 step %parallel_loop3A_31 iter_args(%parallel_loop3A_426 = %broadcast_in_dim3A_24, %parallel_loop3A_427 = %broadcast_in_dim3A_28, %parallel_loop3A_428 = %broadcast_in_dim3A_24) -> (vector<16xi32>, vector<16xi32>, vector<16xi32>)  : i32 {
        %parallel_loop3A_429 = arith.constant 63 : i32
        %parallel_loop3A_430 = arith.subi %parallel_loop3A_429, %parallel_loop3A_425 : i32
        %parallel_loop3A_431 = arith.constant 16 : i32
        %parallel_loop3A_432 = arith.muli %parallel_loop3A_430, %parallel_loop3A_431 : i32
        %parallel_loop3A_433 = arith.index_cast %parallel_loop3A_432 : i32 to index
        %parallel_loop3A_434 = tpu.vector_load %arg6[%parallel_loop3A_433] {strides = array<i32>} : memref<1024xi32, #tpu.memory_space<vmem>>, vector<16xi32>,
        %parallel_loop3A_435 = arith.constant 16 : i32
        %parallel_loop3A_436 = arith.muli %parallel_loop3A_430, %parallel_loop3A_435 : i32
        %parallel_loop3A_437 = arith.index_cast %parallel_loop3A_436 : i32 to index
        %parallel_loop3A_438 = tpu.vector_load %arg6[%parallel_loop3A_437] {strides = array<i32>} : memref<1024xi32, #tpu.memory_space<vmem>>, vector<16xi32>,
        tpu.vector_store %arg6[%parallel_loop3A_437], %broadcast_in_dim3A_24 {strides = array<i32>} : memref<1024xi32, #tpu.memory_space<vmem>>, vector<16xi32>,
        %parallel_loop3A_439 = arith.constant 15 : i32
        %parallel_loop3A_440 = vector.broadcast %parallel_loop3A_439 : i32 to vector<16xi32>
        %parallel_loop3A_441 = tpu.iota {dimensions = array<i32: 0>} : vector<16xi32>
        %parallel_loop3A_442 = arith.subi %parallel_loop3A_440, %parallel_loop3A_441 : vector<16xi32>
        %parallel_loop3A_443 = tpu.dynamic_gather %parallel_loop3A_434[%parallel_loop3A_442] in [0] : vector<16xi32>, vector<16xi32> -> vector<16xi32>
        %parallel_loop3A_444 = arith.constant true
        %parallel_loop3A_445 = vector.broadcast %parallel_loop3A_444 : i1 to vector<16xi1>
        %parallel_loop3A_446 = tpu.scan <sum>, %parallel_loop3A_443 masked %parallel_loop3A_445 : vector<16xi32>, vector<16xi1> -> vector<16xi32>
        %parallel_loop3A_447 = arith.constant 15 : i32
        %parallel_loop3A_448 = vector.broadcast %parallel_loop3A_447 : i32 to vector<16xi32>
        %parallel_loop3A_449 = tpu.iota {dimensions = array<i32: 0>} : vector<16xi32>
        %parallel_loop3A_450 = arith.subi %parallel_loop3A_448, %parallel_loop3A_449 : vector<16xi32>
        %parallel_loop3A_451 = tpu.dynamic_gather %parallel_loop3A_446[%parallel_loop3A_450] in [0] : vector<16xi32>, vector<16xi32> -> vector<16xi32>
        %parallel_loop3A_452 = arith.addi %parallel_loop3A_451, %parallel_loop3A_426 : vector<16xi32>
        %parallel_loop3A_453 = arith.cmpi sge, %parallel_loop3A_452, %broadcast_in_dim3A_5 : vector<16xi32>
        %parallel_loop3A_454 = arith.constant 16 : i32
        %parallel_loop3A_455 = arith.muli %parallel_loop3A_430, %parallel_loop3A_454 : i32
        %parallel_loop3A_456 = vector.broadcast %parallel_loop3A_455 : i32 to vector<16xi32>
        %parallel_loop3A_457 = arith.addi %iota3A_22, %parallel_loop3A_456 : vector<16xi32>
        %parallel_loop3A_458 = arith.constant -1 : i32
        %parallel_loop3A_459 = vector.broadcast %parallel_loop3A_458 : i32 to vector<16xi32>
        %parallel_loop3A_460 = arith.select %parallel_loop3A_453, %parallel_loop3A_457, %parallel_loop3A_459 : vector<16xi1>, vector<16xi32>
        %parallel_loop3A_461 = arith.maxsi %parallel_loop3A_427, %parallel_loop3A_460 : vector<16xi32>
        %parallel_loop3A_462 = arith.constant -1 : i32
        %parallel_loop3A_463 = vector.broadcast %parallel_loop3A_462 : i32 to vector<16xi32>
        %parallel_loop3A_464 = arith.select %parallel_loop3A_453, %parallel_loop3A_463, %parallel_loop3A_452 : vector<16xi1>, vector<16xi32>
        %parallel_loop3A_465 = arith.maxsi %parallel_loop3A_428, %parallel_loop3A_464 : vector<16xi32>
        %parallel_loop3A_466 = vector.shape_cast %broadcast_in_dim3A_26 : vector<16xi32> to vector<16x1xi32>
        %parallel_loop3A_467 = vector.shape_cast %parallel_loop3A_466 : vector<16x1xi32> to vector<16xi32>
        %parallel_loop3A_468 = tpu.dynamic_gather %parallel_loop3A_446[%parallel_loop3A_467] in [0] : vector<16xi32>, vector<16xi32> -> vector<16xi32>
        %parallel_loop3A_469 = arith.addi %parallel_loop3A_426, %parallel_loop3A_468 : vector<16xi32>
        scf.yield %parallel_loop3A_469, %parallel_loop3A_461, %parallel_loop3A_465 : vector<16xi32>, vector<16xi32>, vector<16xi32>
      } {sc.loop_unroll_factor = 1 : i64, sc.parallel_access}
      %reduce_max3A = arith.constant true
      %reduce_max3A_33 = vector.broadcast %reduce_max3A : i1 to vector<16xi1>
      %reduce_max3A_34 = arith.constant -2147483648 : i32
      %reduce_max3A_35 = vector.broadcast %reduce_max3A_34 : i32 to vector<16xi32>
      %reduce_max3A_36 = arith.xori %parallel_loop3A_32#1, %reduce_max3A_35 : vector<16xi32>
      %reduce_max3A_37 = tpu.scan <max>, %reduce_max3A_36 masked %reduce_max3A_33 : vector<16xi32>, vector<16xi1> -> vector<16xi32>
      %reduce_max3A_38 = arith.xori %reduce_max3A_37, %reduce_max3A_35 : vector<16xi32>
      %reduce_max3A_39 = vector.extract %reduce_max3A_38[15] : i32 from vector<16xi32>
      %broadcast_in_dim3A_40 = vector.broadcast %reduce_max3A_39 : i32 to vector<16xi32>
      %reduce_max3A_41 = arith.constant true
      %reduce_max3A_42 = vector.broadcast %reduce_max3A_41 : i1 to vector<16xi1>
      %reduce_max3A_43 = arith.constant -2147483648 : i32
      %reduce_max3A_44 = vector.broadcast %reduce_max3A_43 : i32 to vector<16xi32>
      %reduce_max3A_45 = arith.xori %parallel_loop3A_32#2, %reduce_max3A_44 : vector<16xi32>
      %reduce_max3A_46 = tpu.scan <max>, %reduce_max3A_45 masked %reduce_max3A_42 : vector<16xi32>, vector<16xi1> -> vector<16xi32>
      %reduce_max3A_47 = arith.xori %reduce_max3A_46, %reduce_max3A_44 : vector<16xi32>
      %reduce_max3A_48 = vector.extract %reduce_max3A_47[15] : i32 from vector<16xi32>
      %max3A = arith.constant 0 : i32
      %max3A_49 = arith.maxsi %reduce_max3A_48, %max3A : i32
      %broadcast_in_dim3A_50 = vector.broadcast %max3A_49 : i32 to vector<16xi32>
      %parallel_loop3A_51 = arith.constant 0 : i32
      %parallel_loop3A_52 = arith.constant 256 : i32
      %parallel_loop3A_53 = arith.constant 1 : i32
      %parallel_loop3A_54:2 = scf.for %parallel_loop3A_425 = %parallel_loop3A_51 to %parallel_loop3A_52 step %parallel_loop3A_53 iter_args(%parallel_loop3A_426 = %broadcast_in_dim3A_3, %parallel_loop3A_427 = %broadcast_in_dim3A_3) -> (vector<16xi32>, vector<16xi32>)  : i32 {
        %parallel_loop3A_428 = arith.constant 16 : i32
        %parallel_loop3A_429 = arith.muli %parallel_loop3A_425, %parallel_loop3A_428 : i32
        %parallel_loop3A_430 = arith.index_cast %parallel_loop3A_429 : i32 to index
        %parallel_loop3A_431 = tpu.vector_load %arg5[%parallel_loop3A_430] {strides = array<i32>} : memref<4096xf32, #tpu.memory_space<vmem>>, vector<16xf32>,
        %parallel_loop3A_432 = vector.bitcast %parallel_loop3A_431 : vector<16xf32> to vector<16xi32>
        %parallel_loop3A_433 = arith.constant 20 : i32
        %parallel_loop3A_434 = vector.broadcast %parallel_loop3A_433 : i32 to vector<16xi32>
        %parallel_loop3A_435 = arith.shrsi %parallel_loop3A_432, %parallel_loop3A_434 : vector<16xi32>
        %parallel_loop3A_436 = arith.constant 16 : i32
        %parallel_loop3A_437 = arith.muli %parallel_loop3A_425, %parallel_loop3A_436 : i32
        %parallel_loop3A_438 = vector.broadcast %parallel_loop3A_437 : i32 to vector<16xi32>
        %parallel_loop3A_439 = arith.addi %iota3A, %parallel_loop3A_438 : vector<16xi32>
        %parallel_loop3A_440 = arith.cmpi sgt, %parallel_loop3A_435, %broadcast_in_dim3A_40 : vector<16xi32>
        %parallel_loop3A_441 = arith.cmpi eq, %parallel_loop3A_435, %broadcast_in_dim3A_40 : vector<16xi32>
        %parallel_loop3A_442 = arith.constant 1 : i32
        %parallel_loop3A_443 = arith.constant 0 : i32
        %parallel_loop3A_444 = vector.broadcast %parallel_loop3A_442 : i32 to vector<16xi32>
        %parallel_loop3A_445 = vector.broadcast %parallel_loop3A_443 : i32 to vector<16xi32>
        %parallel_loop3A_446 = arith.select %parallel_loop3A_440, %parallel_loop3A_444, %parallel_loop3A_445 : vector<16xi1>, vector<16xi32>
        %parallel_loop3A_447 = arith.constant true
        %parallel_loop3A_448 = vector.broadcast %parallel_loop3A_447 : i1 to vector<16xi1>
        %parallel_loop3A_449 = tpu.scan <sum>, %parallel_loop3A_446 masked %parallel_loop3A_448 : vector<16xi32>, vector<16xi1> -> vector<16xi32>
        %parallel_loop3A_450 = arith.constant 1 : i32
        %parallel_loop3A_451 = arith.constant 0 : i32
        %parallel_loop3A_452 = vector.broadcast %parallel_loop3A_450 : i32 to vector<16xi32>
        %parallel_loop3A_453 = vector.broadcast %parallel_loop3A_451 : i32 to vector<16xi32>
        %parallel_loop3A_454 = arith.select %parallel_loop3A_441, %parallel_loop3A_452, %parallel_loop3A_453 : vector<16xi1>, vector<16xi32>
        %parallel_loop3A_455 = arith.constant true
        %parallel_loop3A_456 = vector.broadcast %parallel_loop3A_455 : i1 to vector<16xi1>
        %parallel_loop3A_457 = tpu.scan <sum>, %parallel_loop3A_454 masked %parallel_loop3A_456 : vector<16xi32>, vector<16xi1> -> vector<16xi32>
        %parallel_loop3A_458 = arith.addi %parallel_loop3A_426, %parallel_loop3A_449 : vector<16xi32>
        %parallel_loop3A_459 = arith.constant 1 : i32
        %parallel_loop3A_460 = vector.broadcast %parallel_loop3A_459 : i32 to vector<16xi32>
        %parallel_loop3A_461 = arith.subi %parallel_loop3A_458, %parallel_loop3A_460 : vector<16xi32>
        %parallel_loop3A_462 = arith.addi %parallel_loop3A_427, %parallel_loop3A_457 : vector<16xi32>
        %parallel_loop3A_463 = arith.constant 1 : i32
        %parallel_loop3A_464 = vector.broadcast %parallel_loop3A_463 : i32 to vector<16xi32>
        %parallel_loop3A_465 = arith.subi %parallel_loop3A_462, %parallel_loop3A_464 : vector<16xi32>
        tpu.vector_store_idx %arg9[%parallel_loop3A_461], %parallel_loop3A_432 masked %parallel_loop3A_440 : memref<512xi32, #tpu.memory_space<vmem>>[vector<16xi32>], vector<16xi32>, vector<16xi1>
        tpu.vector_store_idx %arg10[%parallel_loop3A_461], %parallel_loop3A_439 masked %parallel_loop3A_440 : memref<512xi32, #tpu.memory_space<vmem>>[vector<16xi32>], vector<16xi32>, vector<16xi1>
        tpu.vector_store_idx %arg7[%parallel_loop3A_465], %parallel_loop3A_432 masked %parallel_loop3A_441 : memref<4096xi32, #tpu.memory_space<vmem>>[vector<16xi32>], vector<16xi32>, vector<16xi1>
        tpu.vector_store_idx %arg8[%parallel_loop3A_465], %parallel_loop3A_439 masked %parallel_loop3A_441 : memref<4096xi32, #tpu.memory_space<vmem>>[vector<16xi32>], vector<16xi32>, vector<16xi1>
        %parallel_loop3A_466 = arith.constant 10 : i32
        %parallel_loop3A_467 = vector.broadcast %parallel_loop3A_466 : i32 to vector<16xi32>
        %parallel_loop3A_468 = arith.shrsi %parallel_loop3A_432, %parallel_loop3A_467 : vector<16xi32>
        %parallel_loop3A_469 = arith.constant 1023 : i32
        %parallel_loop3A_470 = vector.broadcast %parallel_loop3A_469 : i32 to vector<16xi32>
        %parallel_loop3A_471 = arith.andi %parallel_loop3A_468, %parallel_loop3A_470 : vector<16xi32>
        tpu.vector_store_idx %arg6[%parallel_loop3A_471], %broadcast_in_dim3A_1 masked %parallel_loop3A_441 {add = true} : memref<1024xi32, #tpu.memory_space<vmem>>[vector<16xi32>], vector<16xi32>, vector<16xi1>
        %parallel_loop3A_472 = tpu.all_reduce %parallel_loop3A_440 {dim = 0 : i64, kind = #tpu.reduction_kind<sum>} : vector<16xi1> -> vector<16xi32>
        %parallel_loop3A_473 = arith.addi %parallel_loop3A_426, %parallel_loop3A_472 : vector<16xi32>
        %parallel_loop3A_474 = tpu.all_reduce %parallel_loop3A_441 {dim = 0 : i64, kind = #tpu.reduction_kind<sum>} : vector<16xi1> -> vector<16xi32>
        %parallel_loop3A_475 = arith.addi %parallel_loop3A_427, %parallel_loop3A_474 : vector<16xi32>
        scf.yield %parallel_loop3A_473, %parallel_loop3A_475 : vector<16xi32>, vector<16xi32>
      } {sc.loop_unroll_factor = 2 : i64, sc.parallel_access}
      %sub3A = arith.subi %broadcast_in_dim3A_5, %parallel_loop3A_54#0 : vector<16xi32>
      %iota3A_55 = tpu.iota {dimensions = array<i32: 0>} : vector<16xi32>
      %broadcast_in_dim3A_56 = arith.constant 0 : i32
      %broadcast_in_dim3A_57 = vector.broadcast %broadcast_in_dim3A_56 : i32 to vector<16xi32>
      %broadcast_in_dim3A_58 = arith.constant 15 : i32
      %broadcast_in_dim3A_59 = vector.broadcast %broadcast_in_dim3A_58 : i32 to vector<16xi32>
      %broadcast_in_dim3A_60 = arith.constant -1 : i32
      %broadcast_in_dim3A_61 = vector.broadcast %broadcast_in_dim3A_60 : i32 to vector<16xi32>
      %parallel_loop3A_62 = arith.constant 0 : i32
      %parallel_loop3A_63 = arith.constant 64 : i32
      %parallel_loop3A_64 = arith.constant 1 : i32
      %parallel_loop3A_65:3 = scf.for %parallel_loop3A_425 = %parallel_loop3A_62 to %parallel_loop3A_63 step %parallel_loop3A_64 iter_args(%parallel_loop3A_426 = %broadcast_in_dim3A_57, %parallel_loop3A_427 = %broadcast_in_dim3A_61, %parallel_loop3A_428 = %broadcast_in_dim3A_57) -> (vector<16xi32>, vector<16xi32>, vector<16xi32>)  : i32 {
        %parallel_loop3A_429 = arith.constant 63 : i32
        %parallel_loop3A_430 = arith.subi %parallel_loop3A_429, %parallel_loop3A_425 : i32
        %parallel_loop3A_431 = arith.constant 16 : i32
        %parallel_loop3A_432 = arith.muli %parallel_loop3A_430, %parallel_loop3A_431 : i32
        %parallel_loop3A_433 = arith.index_cast %parallel_loop3A_432 : i32 to index
        %parallel_loop3A_434 = tpu.vector_load %arg6[%parallel_loop3A_433] {strides = array<i32>} : memref<1024xi32, #tpu.memory_space<vmem>>, vector<16xi32>,
        %parallel_loop3A_435 = arith.constant 16 : i32
        %parallel_loop3A_436 = arith.muli %parallel_loop3A_430, %parallel_loop3A_435 : i32
        %parallel_loop3A_437 = arith.index_cast %parallel_loop3A_436 : i32 to index
        %parallel_loop3A_438 = tpu.vector_load %arg6[%parallel_loop3A_437] {strides = array<i32>} : memref<1024xi32, #tpu.memory_space<vmem>>, vector<16xi32>,
        tpu.vector_store %arg6[%parallel_loop3A_437], %broadcast_in_dim3A_57 {strides = array<i32>} : memref<1024xi32, #tpu.memory_space<vmem>>, vector<16xi32>,
        %parallel_loop3A_439 = arith.constant 15 : i32
        %parallel_loop3A_440 = vector.broadcast %parallel_loop3A_439 : i32 to vector<16xi32>
        %parallel_loop3A_441 = tpu.iota {dimensions = array<i32: 0>} : vector<16xi32>
        %parallel_loop3A_442 = arith.subi %parallel_loop3A_440, %parallel_loop3A_441 : vector<16xi32>
        %parallel_loop3A_443 = tpu.dynamic_gather %parallel_loop3A_434[%parallel_loop3A_442] in [0] : vector<16xi32>, vector<16xi32> -> vector<16xi32>
        %parallel_loop3A_444 = arith.constant true
        %parallel_loop3A_445 = vector.broadcast %parallel_loop3A_444 : i1 to vector<16xi1>
        %parallel_loop3A_446 = tpu.scan <sum>, %parallel_loop3A_443 masked %parallel_loop3A_445 : vector<16xi32>, vector<16xi1> -> vector<16xi32>
        %parallel_loop3A_447 = arith.constant 15 : i32
        %parallel_loop3A_448 = vector.broadcast %parallel_loop3A_447 : i32 to vector<16xi32>
        %parallel_loop3A_449 = tpu.iota {dimensions = array<i32: 0>} : vector<16xi32>
        %parallel_loop3A_450 = arith.subi %parallel_loop3A_448, %parallel_loop3A_449 : vector<16xi32>
        %parallel_loop3A_451 = tpu.dynamic_gather %parallel_loop3A_446[%parallel_loop3A_450] in [0] : vector<16xi32>, vector<16xi32> -> vector<16xi32>
        %parallel_loop3A_452 = arith.addi %parallel_loop3A_451, %parallel_loop3A_426 : vector<16xi32>
        %parallel_loop3A_453 = arith.cmpi sge, %parallel_loop3A_452, %sub3A : vector<16xi32>
        %parallel_loop3A_454 = arith.constant 16 : i32
        %parallel_loop3A_455 = arith.muli %parallel_loop3A_430, %parallel_loop3A_454 : i32
        %parallel_loop3A_456 = vector.broadcast %parallel_loop3A_455 : i32 to vector<16xi32>
        %parallel_loop3A_457 = arith.addi %iota3A_55, %parallel_loop3A_456 : vector<16xi32>
        %parallel_loop3A_458 = arith.constant -1 : i32
        %parallel_loop3A_459 = vector.broadcast %parallel_loop3A_458 : i32 to vector<16xi32>
        %parallel_loop3A_460 = arith.select %parallel_loop3A_453, %parallel_loop3A_457, %parallel_loop3A_459 : vector<16xi1>, vector<16xi32>
        %parallel_loop3A_461 = arith.maxsi %parallel_loop3A_427, %parallel_loop3A_460 : vector<16xi32>
        %parallel_loop3A_462 = arith.constant -1 : i32
        %parallel_loop3A_463 = vector.broadcast %parallel_loop3A_462 : i32 to vector<16xi32>
        %parallel_loop3A_464 = arith.select %parallel_loop3A_453, %parallel_loop3A_463, %parallel_loop3A_452 : vector<16xi1>, vector<16xi32>
        %parallel_loop3A_465 = arith.maxsi %parallel_loop3A_428, %parallel_loop3A_464 : vector<16xi32>
        %parallel_loop3A_466 = vector.shape_cast %broadcast_in_dim3A_59 : vector<16xi32> to vector<16x1xi32>
        %parallel_loop3A_467 = vector.shape_cast %parallel_loop3A_466 : vector<16x1xi32> to vector<16xi32>
        %parallel_loop3A_468 = tpu.dynamic_gather %parallel_loop3A_446[%parallel_loop3A_467] in [0] : vector<16xi32>, vector<16xi32> -> vector<16xi32>
        %parallel_loop3A_469 = arith.addi %parallel_loop3A_426, %parallel_loop3A_468 : vector<16xi32>
        scf.yield %parallel_loop3A_469, %parallel_loop3A_461, %parallel_loop3A_465 : vector<16xi32>, vector<16xi32>, vector<16xi32>
      } {sc.loop_unroll_factor = 1 : i64, sc.parallel_access}
      %reduce_max3A_66 = arith.constant true
      %reduce_max3A_67 = vector.broadcast %reduce_max3A_66 : i1 to vector<16xi1>
      %reduce_max3A_68 = arith.constant -2147483648 : i32
      %reduce_max3A_69 = vector.broadcast %reduce_max3A_68 : i32 to vector<16xi32>
      %reduce_max3A_70 = arith.xori %parallel_loop3A_65#1, %reduce_max3A_69 : vector<16xi32>
      %reduce_max3A_71 = tpu.scan <max>, %reduce_max3A_70 masked %reduce_max3A_67 : vector<16xi32>, vector<16xi1> -> vector<16xi32>
      %reduce_max3A_72 = arith.xori %reduce_max3A_71, %reduce_max3A_69 : vector<16xi32>
      %reduce_max3A_73 = vector.extract %reduce_max3A_72[15] : i32 from vector<16xi32>
      %broadcast_in_dim3A_74 = vector.broadcast %reduce_max3A_73 : i32 to vector<16xi32>
      %reduce_max3A_75 = arith.constant true
      %reduce_max3A_76 = vector.broadcast %reduce_max3A_75 : i1 to vector<16xi1>
      %reduce_max3A_77 = arith.constant -2147483648 : i32
      %reduce_max3A_78 = vector.broadcast %reduce_max3A_77 : i32 to vector<16xi32>
      %reduce_max3A_79 = arith.xori %parallel_loop3A_65#2, %reduce_max3A_78 : vector<16xi32>
      %reduce_max3A_80 = tpu.scan <max>, %reduce_max3A_79 masked %reduce_max3A_76 : vector<16xi32>, vector<16xi1> -> vector<16xi32>
      %reduce_max3A_81 = arith.xori %reduce_max3A_80, %reduce_max3A_78 : vector<16xi32>
      %reduce_max3A_82 = vector.extract %reduce_max3A_81[15] : i32 from vector<16xi32>
      %max3A_83 = arith.constant 0 : i32
      %max3A_84 = arith.maxsi %reduce_max3A_82, %max3A_83 : i32
      %broadcast_in_dim3A_85 = vector.broadcast %max3A_84 : i32 to vector<16xi32>
      %reduce_max3A_86 = arith.constant true
      %reduce_max3A_87 = vector.broadcast %reduce_max3A_86 : i1 to vector<16xi1>
      %reduce_max3A_88 = arith.constant -2147483648 : i32
      %reduce_max3A_89 = vector.broadcast %reduce_max3A_88 : i32 to vector<16xi32>
      %reduce_max3A_90 = arith.xori %parallel_loop3A_54#1, %reduce_max3A_89 : vector<16xi32>
      %reduce_max3A_91 = tpu.scan <max>, %reduce_max3A_90 masked %reduce_max3A_87 : vector<16xi32>, vector<16xi1> -> vector<16xi32>
      %reduce_max3A_92 = arith.xori %reduce_max3A_91, %reduce_max3A_89 : vector<16xi32>
      %reduce_max3A_93 = vector.extract %reduce_max3A_92[15] : i32 from vector<16xi32>
      %add3A_94 = arith.constant 15 : i32
      %add3A_95 = arith.addi %reduce_max3A_93, %add3A_94 : i32
      %shift_right_arithmetic3A = arith.constant 4 : i32
      %shift_right_arithmetic3A_96 = arith.shrsi %add3A_95, %shift_right_arithmetic3A : i32
      %while3A = arith.constant 0 : i32
      %while3A_97 = arith.subi %shift_right_arithmetic3A_96, %while3A : i32
      %while3A_98 = arith.addi %while3A, %while3A_97 : i32
      %while3A_99 = arith.constant 1 : i32
      %while3A_100 = arith.divsi %while3A_97, %while3A_99 : i32
      %while3A_101 = arith.muli %while3A_100, %while3A_99 : i32
      %while3A_102 = arith.addi %while3A, %while3A_101 : i32
      %while3A_103 = arith.constant 1 : i32
      %while3A_104:2 = scf.for %while3A_425 = %while3A to %while3A_102 step %while3A_103 iter_args(%while3A_426 = %parallel_loop3A_54#0, %while3A_427 = %broadcast_in_dim3A_3) -> (vector<16xi32>, vector<16xi32>)  : i32 {
        %mul3A_428 = arith.constant 16 : i32
        %mul3A_429 = arith.muli %while3A_425, %mul3A_428 : i32
        %get3A_430 = arith.index_cast %mul3A_429 : i32 to index
        %get3A_431 = tpu.vector_load %arg7[%get3A_430] {strides = array<i32>} : memref<4096xi32, #tpu.memory_space<vmem>>, vector<16xi32>,
        %mul3A_432 = arith.constant 16 : i32
        %mul3A_433 = arith.muli %while3A_425, %mul3A_432 : i32
        %get3A_434 = arith.index_cast %mul3A_433 : i32 to index
        %get3A_435 = tpu.vector_load %arg8[%get3A_434] {strides = array<i32>} : memref<4096xi32, #tpu.memory_space<vmem>>, vector<16xi32>,
        %mul3A_436 = arith.constant 16 : i32
        %mul3A_437 = arith.muli %while3A_425, %mul3A_436 : i32
        %add3A_438 = vector.broadcast %mul3A_437 : i32 to vector<16xi32>
        %add3A_439 = arith.addi %iota3A, %add3A_438 : vector<16xi32>
        %lt3A = arith.cmpi slt, %add3A_439, %parallel_loop3A_54#1 : vector<16xi32>
        %shift_right_arithmetic3A_440 = arith.constant 10 : i32
        %shift_right_arithmetic3A_441 = vector.broadcast %shift_right_arithmetic3A_440 : i32 to vector<16xi32>
        %shift_right_arithmetic3A_442 = arith.shrsi %get3A_431, %shift_right_arithmetic3A_441 : vector<16xi32>
        %and3A = arith.constant 1023 : i32
        %and3A_443 = vector.broadcast %and3A : i32 to vector<16xi32>
        %and3A_444 = arith.andi %shift_right_arithmetic3A_442, %and3A_443 : vector<16xi32>
        %gt3A = arith.cmpi sgt, %and3A_444, %broadcast_in_dim3A_74 : vector<16xi32>
        %and3A_445 = arith.andi %lt3A, %gt3A : vector<16xi1>
        %eq3A = arith.cmpi eq, %and3A_444, %broadcast_in_dim3A_74 : vector<16xi32>
        %and3A_446 = arith.andi %lt3A, %eq3A : vector<16xi1>
        %jit3A = arith.constant 1 : i32
        %jit3A_447 = arith.constant 0 : i32
        %broadcast_in_dim3A_448 = vector.broadcast %jit3A : i32 to vector<16xi32>
        %broadcast_in_dim3A_449 = vector.broadcast %jit3A_447 : i32 to vector<16xi32>
        %select_n3A = arith.select %and3A_445, %broadcast_in_dim3A_448, %broadcast_in_dim3A_449 : vector<16xi1>, vector<16xi32>
        %broadcast_in_dim3A_450 = arith.constant true
        %broadcast_in_dim3A_451 = vector.broadcast %broadcast_in_dim3A_450 : i1 to vector<16xi1>
        %masked_cumsum3A_452 = tpu.scan <sum>, %select_n3A masked %broadcast_in_dim3A_451 : vector<16xi32>, vector<16xi1> -> vector<16xi32>
        %jit3A_453 = arith.constant 1 : i32
        %jit3A_454 = arith.constant 0 : i32
        %broadcast_in_dim3A_455 = vector.broadcast %jit3A_453 : i32 to vector<16xi32>
        %broadcast_in_dim3A_456 = vector.broadcast %jit3A_454 : i32 to vector<16xi32>
        %select_n3A_457 = arith.select %and3A_446, %broadcast_in_dim3A_455, %broadcast_in_dim3A_456 : vector<16xi1>, vector<16xi32>
        %broadcast_in_dim3A_458 = arith.constant true
        %broadcast_in_dim3A_459 = vector.broadcast %broadcast_in_dim3A_458 : i1 to vector<16xi1>
        %masked_cumsum3A_460 = tpu.scan <sum>, %select_n3A_457 masked %broadcast_in_dim3A_459 : vector<16xi32>, vector<16xi1> -> vector<16xi32>
        %add3A_461 = arith.addi %while3A_426, %masked_cumsum3A_452 : vector<16xi32>
        %sub3A_462 = arith.constant 1 : i32
        %sub3A_463 = vector.broadcast %sub3A_462 : i32 to vector<16xi32>
        %sub3A_464 = arith.subi %add3A_461, %sub3A_463 : vector<16xi32>
        %add3A_465 = arith.addi %while3A_427, %masked_cumsum3A_460 : vector<16xi32>
        %sub3A_466 = arith.constant 1 : i32
        %sub3A_467 = vector.broadcast %sub3A_466 : i32 to vector<16xi32>
        %sub3A_468 = arith.subi %add3A_465, %sub3A_467 : vector<16xi32>
        tpu.vector_store_idx %arg9[%sub3A_464], %get3A_431 masked %and3A_445 : memref<512xi32, #tpu.memory_space<vmem>>[vector<16xi32>], vector<16xi32>, vector<16xi1>
        tpu.vector_store_idx %arg10[%sub3A_464], %get3A_435 masked %and3A_445 : memref<512xi32, #tpu.memory_space<vmem>>[vector<16xi32>], vector<16xi32>, vector<16xi1>
        tpu.vector_store_idx %arg7[%sub3A_468], %get3A_431 masked %and3A_446 : memref<4096xi32, #tpu.memory_space<vmem>>[vector<16xi32>], vector<16xi32>, vector<16xi1>
        tpu.vector_store_idx %arg8[%sub3A_468], %get3A_435 masked %and3A_446 : memref<4096xi32, #tpu.memory_space<vmem>>[vector<16xi32>], vector<16xi32>, vector<16xi1>
        %and3A_469 = arith.constant 1023 : i32
        %and3A_470 = vector.broadcast %and3A_469 : i32 to vector<16xi32>
        %and3A_471 = arith.andi %get3A_431, %and3A_470 : vector<16xi32>
        tpu.vector_store_idx %arg6[%and3A_471], %broadcast_in_dim3A_1 masked %and3A_446 {add = true} : memref<1024xi32, #tpu.memory_space<vmem>>[vector<16xi32>], vector<16xi32>, vector<16xi1>
        %all_reduce_population_count3A = tpu.all_reduce %and3A_445 {dim = 0 : i64, kind = #tpu.reduction_kind<sum>} : vector<16xi1> -> vector<16xi32>
        %add3A_472 = arith.addi %while3A_426, %all_reduce_population_count3A : vector<16xi32>
        %all_reduce_population_count3A_473 = tpu.all_reduce %and3A_446 {dim = 0 : i64, kind = #tpu.reduction_kind<sum>} : vector<16xi1> -> vector<16xi32>
        %add3A_474 = arith.addi %while3A_427, %all_reduce_population_count3A_473 : vector<16xi32>
        scf.yield %add3A_472, %add3A_474 : vector<16xi32>, vector<16xi32>
      }
      %while3A_105 = arith.constant 1 : i32
      %while3A_106:2 = scf.for %while3A_425 = %while3A_102 to %while3A_98 step %while3A_105 iter_args(%while3A_426 = %while3A_104#0, %while3A_427 = %while3A_104#1) -> (vector<16xi32>, vector<16xi32>)  : i32 {
        %mul3A_428 = arith.constant 16 : i32
        %mul3A_429 = arith.muli %while3A_425, %mul3A_428 : i32
        %get3A_430 = arith.index_cast %mul3A_429 : i32 to index
        %get3A_431 = tpu.vector_load %arg7[%get3A_430] {strides = array<i32>} : memref<4096xi32, #tpu.memory_space<vmem>>, vector<16xi32>,
        %mul3A_432 = arith.constant 16 : i32
        %mul3A_433 = arith.muli %while3A_425, %mul3A_432 : i32
        %get3A_434 = arith.index_cast %mul3A_433 : i32 to index
        %get3A_435 = tpu.vector_load %arg8[%get3A_434] {strides = array<i32>} : memref<4096xi32, #tpu.memory_space<vmem>>, vector<16xi32>,
        %mul3A_436 = arith.constant 16 : i32
        %mul3A_437 = arith.muli %while3A_425, %mul3A_436 : i32
        %add3A_438 = vector.broadcast %mul3A_437 : i32 to vector<16xi32>
        %add3A_439 = arith.addi %iota3A, %add3A_438 : vector<16xi32>
        %lt3A = arith.cmpi slt, %add3A_439, %parallel_loop3A_54#1 : vector<16xi32>
        %shift_right_arithmetic3A_440 = arith.constant 10 : i32
        %shift_right_arithmetic3A_441 = vector.broadcast %shift_right_arithmetic3A_440 : i32 to vector<16xi32>
        %shift_right_arithmetic3A_442 = arith.shrsi %get3A_431, %shift_right_arithmetic3A_441 : vector<16xi32>
        %and3A = arith.constant 1023 : i32
        %and3A_443 = vector.broadcast %and3A : i32 to vector<16xi32>
        %and3A_444 = arith.andi %shift_right_arithmetic3A_442, %and3A_443 : vector<16xi32>
        %gt3A = arith.cmpi sgt, %and3A_444, %broadcast_in_dim3A_74 : vector<16xi32>
        %and3A_445 = arith.andi %lt3A, %gt3A : vector<16xi1>
        %eq3A = arith.cmpi eq, %and3A_444, %broadcast_in_dim3A_74 : vector<16xi32>
        %and3A_446 = arith.andi %lt3A, %eq3A : vector<16xi1>
        %jit3A = arith.constant 1 : i32
        %jit3A_447 = arith.constant 0 : i32
        %broadcast_in_dim3A_448 = vector.broadcast %jit3A : i32 to vector<16xi32>
        %broadcast_in_dim3A_449 = vector.broadcast %jit3A_447 : i32 to vector<16xi32>
        %select_n3A = arith.select %and3A_445, %broadcast_in_dim3A_448, %broadcast_in_dim3A_449 : vector<16xi1>, vector<16xi32>
        %broadcast_in_dim3A_450 = arith.constant true
        %broadcast_in_dim3A_451 = vector.broadcast %broadcast_in_dim3A_450 : i1 to vector<16xi1>
        %masked_cumsum3A_452 = tpu.scan <sum>, %select_n3A masked %broadcast_in_dim3A_451 : vector<16xi32>, vector<16xi1> -> vector<16xi32>
        %jit3A_453 = arith.constant 1 : i32
        %jit3A_454 = arith.constant 0 : i32
        %broadcast_in_dim3A_455 = vector.broadcast %jit3A_453 : i32 to vector<16xi32>
        %broadcast_in_dim3A_456 = vector.broadcast %jit3A_454 : i32 to vector<16xi32>
        %select_n3A_457 = arith.select %and3A_446, %broadcast_in_dim3A_455, %broadcast_in_dim3A_456 : vector<16xi1>, vector<16xi32>
        %broadcast_in_dim3A_458 = arith.constant true
        %broadcast_in_dim3A_459 = vector.broadcast %broadcast_in_dim3A_458 : i1 to vector<16xi1>
        %masked_cumsum3A_460 = tpu.scan <sum>, %select_n3A_457 masked %broadcast_in_dim3A_459 : vector<16xi32>, vector<16xi1> -> vector<16xi32>
        %add3A_461 = arith.addi %while3A_426, %masked_cumsum3A_452 : vector<16xi32>
        %sub3A_462 = arith.constant 1 : i32
        %sub3A_463 = vector.broadcast %sub3A_462 : i32 to vector<16xi32>
        %sub3A_464 = arith.subi %add3A_461, %sub3A_463 : vector<16xi32>
        %add3A_465 = arith.addi %while3A_427, %masked_cumsum3A_460 : vector<16xi32>
        %sub3A_466 = arith.constant 1 : i32
        %sub3A_467 = vector.broadcast %sub3A_466 : i32 to vector<16xi32>
        %sub3A_468 = arith.subi %add3A_465, %sub3A_467 : vector<16xi32>
        tpu.vector_store_idx %arg9[%sub3A_464], %get3A_431 masked %and3A_445 : memref<512xi32, #tpu.memory_space<vmem>>[vector<16xi32>], vector<16xi32>, vector<16xi1>
        tpu.vector_store_idx %arg10[%sub3A_464], %get3A_435 masked %and3A_445 : memref<512xi32, #tpu.memory_space<vmem>>[vector<16xi32>], vector<16xi32>, vector<16xi1>
        tpu.vector_store_idx %arg7[%sub3A_468], %get3A_431 masked %and3A_446 : memref<4096xi32, #tpu.memory_space<vmem>>[vector<16xi32>], vector<16xi32>, vector<16xi1>
        tpu.vector_store_idx %arg8[%sub3A_468], %get3A_435 masked %and3A_446 : memref<4096xi32, #tpu.memory_space<vmem>>[vector<16xi32>], vector<16xi32>, vector<16xi1>
        %and3A_469 = arith.constant 1023 : i32
        %and3A_470 = vector.broadcast %and3A_469 : i32 to vector<16xi32>
        %and3A_471 = arith.andi %get3A_431, %and3A_470 : vector<16xi32>
        tpu.vector_store_idx %arg6[%and3A_471], %broadcast_in_dim3A_1 masked %and3A_446 {add = true} : memref<1024xi32, #tpu.memory_space<vmem>>[vector<16xi32>], vector<16xi32>, vector<16xi1>
        %all_reduce_population_count3A = tpu.all_reduce %and3A_445 {dim = 0 : i64, kind = #tpu.reduction_kind<sum>} : vector<16xi1> -> vector<16xi32>
        %add3A_472 = arith.addi %while3A_426, %all_reduce_population_count3A : vector<16xi32>
        %all_reduce_population_count3A_473 = tpu.all_reduce %and3A_446 {dim = 0 : i64, kind = #tpu.reduction_kind<sum>} : vector<16xi1> -> vector<16xi32>
        %add3A_474 = arith.addi %while3A_427, %all_reduce_population_count3A_473 : vector<16xi32>
        scf.yield %add3A_472, %add3A_474 : vector<16xi32>, vector<16xi32>
      }
      %sub3A_107 = arith.subi %broadcast_in_dim3A_5, %while3A_106#0 : vector<16xi32>
      %iota3A_108 = tpu.iota {dimensions = array<i32: 0>} : vector<16xi32>
      %broadcast_in_dim3A_109 = arith.constant 0 : i32
      %broadcast_in_dim3A_110 = vector.broadcast %broadcast_in_dim3A_109 : i32 to vector<16xi32>
      %broadcast_in_dim3A_111 = arith.constant 15 : i32
      %broadcast_in_dim3A_112 = vector.broadcast %broadcast_in_dim3A_111 : i32 to vector<16xi32>
      %broadcast_in_dim3A_113 = arith.constant -1 : i32
      %broadcast_in_dim3A_114 = vector.broadcast %broadcast_in_dim3A_113 : i32 to vector<16xi32>
      %parallel_loop3A_115 = arith.constant 0 : i32
      %parallel_loop3A_116 = arith.constant 64 : i32
      %parallel_loop3A_117 = arith.constant 1 : i32
      %parallel_loop3A_118:3 = scf.for %parallel_loop3A_425 = %parallel_loop3A_115 to %parallel_loop3A_116 step %parallel_loop3A_117 iter_args(%parallel_loop3A_426 = %broadcast_in_dim3A_110, %parallel_loop3A_427 = %broadcast_in_dim3A_114, %parallel_loop3A_428 = %broadcast_in_dim3A_110) -> (vector<16xi32>, vector<16xi32>, vector<16xi32>)  : i32 {
        %parallel_loop3A_429 = arith.constant 63 : i32
        %parallel_loop3A_430 = arith.subi %parallel_loop3A_429, %parallel_loop3A_425 : i32
        %parallel_loop3A_431 = arith.constant 16 : i32
        %parallel_loop3A_432 = arith.muli %parallel_loop3A_430, %parallel_loop3A_431 : i32
        %parallel_loop3A_433 = arith.index_cast %parallel_loop3A_432 : i32 to index
        %parallel_loop3A_434 = tpu.vector_load %arg6[%parallel_loop3A_433] {strides = array<i32>} : memref<1024xi32, #tpu.memory_space<vmem>>, vector<16xi32>,
        %parallel_loop3A_435 = arith.constant 16 : i32
        %parallel_loop3A_436 = arith.muli %parallel_loop3A_430, %parallel_loop3A_435 : i32
        %parallel_loop3A_437 = arith.index_cast %parallel_loop3A_436 : i32 to index
        %parallel_loop3A_438 = tpu.vector_load %arg6[%parallel_loop3A_437] {strides = array<i32>} : memref<1024xi32, #tpu.memory_space<vmem>>, vector<16xi32>,
        tpu.vector_store %arg6[%parallel_loop3A_437], %broadcast_in_dim3A_110 {strides = array<i32>} : memref<1024xi32, #tpu.memory_space<vmem>>, vector<16xi32>,
        %parallel_loop3A_439 = arith.constant 15 : i32
        %parallel_loop3A_440 = vector.broadcast %parallel_loop3A_439 : i32 to vector<16xi32>
        %parallel_loop3A_441 = tpu.iota {dimensions = array<i32: 0>} : vector<16xi32>
        %parallel_loop3A_442 = arith.subi %parallel_loop3A_440, %parallel_loop3A_441 : vector<16xi32>
        %parallel_loop3A_443 = tpu.dynamic_gather %parallel_loop3A_434[%parallel_loop3A_442] in [0] : vector<16xi32>, vector<16xi32> -> vector<16xi32>
        %parallel_loop3A_444 = arith.constant true
        %parallel_loop3A_445 = vector.broadcast %parallel_loop3A_444 : i1 to vector<16xi1>
        %parallel_loop3A_446 = tpu.scan <sum>, %parallel_loop3A_443 masked %parallel_loop3A_445 : vector<16xi32>, vector<16xi1> -> vector<16xi32>
        %parallel_loop3A_447 = arith.constant 15 : i32
        %parallel_loop3A_448 = vector.broadcast %parallel_loop3A_447 : i32 to vector<16xi32>
        %parallel_loop3A_449 = tpu.iota {dimensions = array<i32: 0>} : vector<16xi32>
        %parallel_loop3A_450 = arith.subi %parallel_loop3A_448, %parallel_loop3A_449 : vector<16xi32>
        %parallel_loop3A_451 = tpu.dynamic_gather %parallel_loop3A_446[%parallel_loop3A_450] in [0] : vector<16xi32>, vector<16xi32> -> vector<16xi32>
        %parallel_loop3A_452 = arith.addi %parallel_loop3A_451, %parallel_loop3A_426 : vector<16xi32>
        %parallel_loop3A_453 = arith.cmpi sge, %parallel_loop3A_452, %sub3A_107 : vector<16xi32>
        %parallel_loop3A_454 = arith.constant 16 : i32
        %parallel_loop3A_455 = arith.muli %parallel_loop3A_430, %parallel_loop3A_454 : i32
        %parallel_loop3A_456 = vector.broadcast %parallel_loop3A_455 : i32 to vector<16xi32>
        %parallel_loop3A_457 = arith.addi %iota3A_108, %parallel_loop3A_456 : vector<16xi32>
        %parallel_loop3A_458 = arith.constant -1 : i32
        %parallel_loop3A_459 = vector.broadcast %parallel_loop3A_458 : i32 to vector<16xi32>
        %parallel_loop3A_460 = arith.select %parallel_loop3A_453, %parallel_loop3A_457, %parallel_loop3A_459 : vector<16xi1>, vector<16xi32>
        %parallel_loop3A_461 = arith.maxsi %parallel_loop3A_427, %parallel_loop3A_460 : vector<16xi32>
        %parallel_loop3A_462 = arith.constant -1 : i32
        %parallel_loop3A_463 = vector.broadcast %parallel_loop3A_462 : i32 to vector<16xi32>
        %parallel_loop3A_464 = arith.select %parallel_loop3A_453, %parallel_loop3A_463, %parallel_loop3A_452 : vector<16xi1>, vector<16xi32>
        %parallel_loop3A_465 = arith.maxsi %parallel_loop3A_428, %parallel_loop3A_464 : vector<16xi32>
        %parallel_loop3A_466 = vector.shape_cast %broadcast_in_dim3A_112 : vector<16xi32> to vector<16x1xi32>
        %parallel_loop3A_467 = vector.shape_cast %parallel_loop3A_466 : vector<16x1xi32> to vector<16xi32>
        %parallel_loop3A_468 = tpu.dynamic_gather %parallel_loop3A_446[%parallel_loop3A_467] in [0] : vector<16xi32>, vector<16xi32> -> vector<16xi32>
        %parallel_loop3A_469 = arith.addi %parallel_loop3A_426, %parallel_loop3A_468 : vector<16xi32>
        scf.yield %parallel_loop3A_469, %parallel_loop3A_461, %parallel_loop3A_465 : vector<16xi32>, vector<16xi32>, vector<16xi32>
      } {sc.loop_unroll_factor = 1 : i64, sc.parallel_access}
      %reduce_max3A_119 = arith.constant true
      %reduce_max3A_120 = vector.broadcast %reduce_max3A_119 : i1 to vector<16xi1>
      %reduce_max3A_121 = arith.constant -2147483648 : i32
      %reduce_max3A_122 = vector.broadcast %reduce_max3A_121 : i32 to vector<16xi32>
      %reduce_max3A_123 = arith.xori %parallel_loop3A_118#1, %reduce_max3A_122 : vector<16xi32>
      %reduce_max3A_124 = tpu.scan <max>, %reduce_max3A_123 masked %reduce_max3A_120 : vector<16xi32>, vector<16xi1> -> vector<16xi32>
      %reduce_max3A_125 = arith.xori %reduce_max3A_124, %reduce_max3A_122 : vector<16xi32>
      %reduce_max3A_126 = vector.extract %reduce_max3A_125[15] : i32 from vector<16xi32>
      %broadcast_in_dim3A_127 = vector.broadcast %reduce_max3A_126 : i32 to vector<16xi32>
      %reduce_max3A_128 = arith.constant true
      %reduce_max3A_129 = vector.broadcast %reduce_max3A_128 : i1 to vector<16xi1>
      %reduce_max3A_130 = arith.constant -2147483648 : i32
      %reduce_max3A_131 = vector.broadcast %reduce_max3A_130 : i32 to vector<16xi32>
      %reduce_max3A_132 = arith.xori %parallel_loop3A_118#2, %reduce_max3A_131 : vector<16xi32>
      %reduce_max3A_133 = tpu.scan <max>, %reduce_max3A_132 masked %reduce_max3A_129 : vector<16xi32>, vector<16xi1> -> vector<16xi32>
      %reduce_max3A_134 = arith.xori %reduce_max3A_133, %reduce_max3A_131 : vector<16xi32>
      %reduce_max3A_135 = vector.extract %reduce_max3A_134[15] : i32 from vector<16xi32>
      %max3A_136 = arith.constant 0 : i32
      %max3A_137 = arith.maxsi %reduce_max3A_135, %max3A_136 : i32
      %broadcast_in_dim3A_138 = vector.broadcast %max3A_137 : i32 to vector<16xi32>
      %sub3A_139 = arith.subi %sub3A_107, %broadcast_in_dim3A_138 : vector<16xi32>
      %sub3A_140 = arith.subi %broadcast_in_dim3A_5, %sub3A_139 : vector<16xi32>
      %reduce_max3A_141 = arith.constant true
      %reduce_max3A_142 = vector.broadcast %reduce_max3A_141 : i1 to vector<16xi1>
      %reduce_max3A_143 = arith.constant -2147483648 : i32
      %reduce_max3A_144 = vector.broadcast %reduce_max3A_143 : i32 to vector<16xi32>
      %reduce_max3A_145 = arith.xori %while3A_106#1, %reduce_max3A_144 : vector<16xi32>
      %reduce_max3A_146 = tpu.scan <max>, %reduce_max3A_145 masked %reduce_max3A_142 : vector<16xi32>, vector<16xi1> -> vector<16xi32>
      %reduce_max3A_147 = arith.xori %reduce_max3A_146, %reduce_max3A_144 : vector<16xi32>
      %reduce_max3A_148 = vector.extract %reduce_max3A_147[15] : i32 from vector<16xi32>
      %add3A_149 = arith.constant 15 : i32
      %add3A_150 = arith.addi %reduce_max3A_148, %add3A_149 : i32
      %shift_right_arithmetic3A_151 = arith.constant 4 : i32
      %shift_right_arithmetic3A_152 = arith.shrsi %add3A_150, %shift_right_arithmetic3A_151 : i32
      %while3A_153 = arith.constant 0 : i32
      %while3A_154 = arith.subi %shift_right_arithmetic3A_152, %while3A_153 : i32
      %while3A_155 = arith.addi %while3A_153, %while3A_154 : i32
      %while3A_156 = arith.constant 1 : i32
      %while3A_157 = arith.divsi %while3A_154, %while3A_156 : i32
      %while3A_158 = arith.muli %while3A_157, %while3A_156 : i32
      %while3A_159 = arith.addi %while3A_153, %while3A_158 : i32
      %while3A_160 = arith.constant 1 : i32
      %while3A_161:2 = scf.for %while3A_425 = %while3A_153 to %while3A_159 step %while3A_160 iter_args(%while3A_426 = %while3A_106#0, %while3A_427 = %broadcast_in_dim3A_3) -> (vector<16xi32>, vector<16xi32>)  : i32 {
        %mul3A_428 = arith.constant 16 : i32
        %mul3A_429 = arith.muli %while3A_425, %mul3A_428 : i32
        %get3A_430 = arith.index_cast %mul3A_429 : i32 to index
        %get3A_431 = tpu.vector_load %arg7[%get3A_430] {strides = array<i32>} : memref<4096xi32, #tpu.memory_space<vmem>>, vector<16xi32>,
        %mul3A_432 = arith.constant 16 : i32
        %mul3A_433 = arith.muli %while3A_425, %mul3A_432 : i32
        %get3A_434 = arith.index_cast %mul3A_433 : i32 to index
        %get3A_435 = tpu.vector_load %arg8[%get3A_434] {strides = array<i32>} : memref<4096xi32, #tpu.memory_space<vmem>>, vector<16xi32>,
        %mul3A_436 = arith.constant 16 : i32
        %mul3A_437 = arith.muli %while3A_425, %mul3A_436 : i32
        %add3A_438 = vector.broadcast %mul3A_437 : i32 to vector<16xi32>
        %add3A_439 = arith.addi %iota3A, %add3A_438 : vector<16xi32>
        %lt3A = arith.cmpi slt, %add3A_439, %while3A_106#1 : vector<16xi32>
        %and3A = arith.constant 1023 : i32
        %and3A_440 = vector.broadcast %and3A : i32 to vector<16xi32>
        %and3A_441 = arith.andi %get3A_431, %and3A_440 : vector<16xi32>
        %gt3A = arith.cmpi sgt, %and3A_441, %broadcast_in_dim3A_127 : vector<16xi32>
        %and3A_442 = arith.andi %lt3A, %gt3A : vector<16xi1>
        %eq3A = arith.cmpi eq, %and3A_441, %broadcast_in_dim3A_127 : vector<16xi32>
        %and3A_443 = arith.andi %lt3A, %eq3A : vector<16xi1>
        %jit3A = arith.constant 1 : i32
        %jit3A_444 = arith.constant 0 : i32
        %broadcast_in_dim3A_445 = vector.broadcast %jit3A : i32 to vector<16xi32>
        %broadcast_in_dim3A_446 = vector.broadcast %jit3A_444 : i32 to vector<16xi32>
        %select_n3A = arith.select %and3A_442, %broadcast_in_dim3A_445, %broadcast_in_dim3A_446 : vector<16xi1>, vector<16xi32>
        %broadcast_in_dim3A_447 = arith.constant true
        %broadcast_in_dim3A_448 = vector.broadcast %broadcast_in_dim3A_447 : i1 to vector<16xi1>
        %masked_cumsum3A_449 = tpu.scan <sum>, %select_n3A masked %broadcast_in_dim3A_448 : vector<16xi32>, vector<16xi1> -> vector<16xi32>
        %jit3A_450 = arith.constant 1 : i32
        %jit3A_451 = arith.constant 0 : i32
        %broadcast_in_dim3A_452 = vector.broadcast %jit3A_450 : i32 to vector<16xi32>
        %broadcast_in_dim3A_453 = vector.broadcast %jit3A_451 : i32 to vector<16xi32>
        %select_n3A_454 = arith.select %and3A_443, %broadcast_in_dim3A_452, %broadcast_in_dim3A_453 : vector<16xi1>, vector<16xi32>
        %broadcast_in_dim3A_455 = arith.constant true
        %broadcast_in_dim3A_456 = vector.broadcast %broadcast_in_dim3A_455 : i1 to vector<16xi1>
        %masked_cumsum3A_457 = tpu.scan <sum>, %select_n3A_454 masked %broadcast_in_dim3A_456 : vector<16xi32>, vector<16xi1> -> vector<16xi32>
        %add3A_458 = arith.addi %while3A_426, %masked_cumsum3A_449 : vector<16xi32>
        %sub3A_459 = arith.constant 1 : i32
        %sub3A_460 = vector.broadcast %sub3A_459 : i32 to vector<16xi32>
        %sub3A_461 = arith.subi %add3A_458, %sub3A_460 : vector<16xi32>
        %add3A_462 = arith.addi %sub3A_140, %while3A_427 : vector<16xi32>
        %add3A_463 = arith.addi %add3A_462, %masked_cumsum3A_457 : vector<16xi32>
        %sub3A_464 = arith.constant 1 : i32
        %sub3A_465 = vector.broadcast %sub3A_464 : i32 to vector<16xi32>
        %sub3A_466 = arith.subi %add3A_463, %sub3A_465 : vector<16xi32>
        %lt3A_467 = arith.cmpi slt, %sub3A_466, %broadcast_in_dim3A_5 : vector<16xi32>
        %and3A_468 = arith.andi %and3A_443, %lt3A_467 : vector<16xi1>
        tpu.vector_store_idx %arg9[%sub3A_461], %get3A_431 masked %and3A_442 : memref<512xi32, #tpu.memory_space<vmem>>[vector<16xi32>], vector<16xi32>, vector<16xi1>
        tpu.vector_store_idx %arg10[%sub3A_461], %get3A_435 masked %and3A_442 : memref<512xi32, #tpu.memory_space<vmem>>[vector<16xi32>], vector<16xi32>, vector<16xi1>
        tpu.vector_store_idx %arg9[%sub3A_466], %get3A_431 masked %and3A_468 : memref<512xi32, #tpu.memory_space<vmem>>[vector<16xi32>], vector<16xi32>, vector<16xi1>
        tpu.vector_store_idx %arg10[%sub3A_466], %get3A_435 masked %and3A_468 : memref<512xi32, #tpu.memory_space<vmem>>[vector<16xi32>], vector<16xi32>, vector<16xi1>
        %all_reduce_population_count3A = tpu.all_reduce %and3A_442 {dim = 0 : i64, kind = #tpu.reduction_kind<sum>} : vector<16xi1> -> vector<16xi32>
        %add3A_469 = arith.addi %while3A_426, %all_reduce_population_count3A : vector<16xi32>
        %all_reduce_population_count3A_470 = tpu.all_reduce %and3A_443 {dim = 0 : i64, kind = #tpu.reduction_kind<sum>} : vector<16xi1> -> vector<16xi32>
        %add3A_471 = arith.addi %while3A_427, %all_reduce_population_count3A_470 : vector<16xi32>
        scf.yield %add3A_469, %add3A_471 : vector<16xi32>, vector<16xi32>
      }
      %while3A_162 = arith.constant 1 : i32
      %while3A_163:2 = scf.for %while3A_425 = %while3A_159 to %while3A_155 step %while3A_162 iter_args(%while3A_426 = %while3A_161#0, %while3A_427 = %while3A_161#1) -> (vector<16xi32>, vector<16xi32>)  : i32 {
        %mul3A_428 = arith.constant 16 : i32
        %mul3A_429 = arith.muli %while3A_425, %mul3A_428 : i32
        %get3A_430 = arith.index_cast %mul3A_429 : i32 to index
        %get3A_431 = tpu.vector_load %arg7[%get3A_430] {strides = array<i32>} : memref<4096xi32, #tpu.memory_space<vmem>>, vector<16xi32>,
        %mul3A_432 = arith.constant 16 : i32
        %mul3A_433 = arith.muli %while3A_425, %mul3A_432 : i32
        %get3A_434 = arith.index_cast %mul3A_433 : i32 to index
        %get3A_435 = tpu.vector_load %arg8[%get3A_434] {strides = array<i32>} : memref<4096xi32, #tpu.memory_space<vmem>>, vector<16xi32>,
        %mul3A_436 = arith.constant 16 : i32
        %mul3A_437 = arith.muli %while3A_425, %mul3A_436 : i32
        %add3A_438 = vector.broadcast %mul3A_437 : i32 to vector<16xi32>
        %add3A_439 = arith.addi %iota3A, %add3A_438 : vector<16xi32>
        %lt3A = arith.cmpi slt, %add3A_439, %while3A_106#1 : vector<16xi32>
        %and3A = arith.constant 1023 : i32
        %and3A_440 = vector.broadcast %and3A : i32 to vector<16xi32>
        %and3A_441 = arith.andi %get3A_431, %and3A_440 : vector<16xi32>
        %gt3A = arith.cmpi sgt, %and3A_441, %broadcast_in_dim3A_127 : vector<16xi32>
        %and3A_442 = arith.andi %lt3A, %gt3A : vector<16xi1>
        %eq3A = arith.cmpi eq, %and3A_441, %broadcast_in_dim3A_127 : vector<16xi32>
        %and3A_443 = arith.andi %lt3A, %eq3A : vector<16xi1>
        %jit3A = arith.constant 1 : i32
        %jit3A_444 = arith.constant 0 : i32
        %broadcast_in_dim3A_445 = vector.broadcast %jit3A : i32 to vector<16xi32>
        %broadcast_in_dim3A_446 = vector.broadcast %jit3A_444 : i32 to vector<16xi32>
        %select_n3A = arith.select %and3A_442, %broadcast_in_dim3A_445, %broadcast_in_dim3A_446 : vector<16xi1>, vector<16xi32>
        %broadcast_in_dim3A_447 = arith.constant true
        %broadcast_in_dim3A_448 = vector.broadcast %broadcast_in_dim3A_447 : i1 to vector<16xi1>
        %masked_cumsum3A_449 = tpu.scan <sum>, %select_n3A masked %broadcast_in_dim3A_448 : vector<16xi32>, vector<16xi1> -> vector<16xi32>
        %jit3A_450 = arith.constant 1 : i32
        %jit3A_451 = arith.constant 0 : i32
        %broadcast_in_dim3A_452 = vector.broadcast %jit3A_450 : i32 to vector<16xi32>
        %broadcast_in_dim3A_453 = vector.broadcast %jit3A_451 : i32 to vector<16xi32>
        %select_n3A_454 = arith.select %and3A_443, %broadcast_in_dim3A_452, %broadcast_in_dim3A_453 : vector<16xi1>, vector<16xi32>
        %broadcast_in_dim3A_455 = arith.constant true
        %broadcast_in_dim3A_456 = vector.broadcast %broadcast_in_dim3A_455 : i1 to vector<16xi1>
        %masked_cumsum3A_457 = tpu.scan <sum>, %select_n3A_454 masked %broadcast_in_dim3A_456 : vector<16xi32>, vector<16xi1> -> vector<16xi32>
        %add3A_458 = arith.addi %while3A_426, %masked_cumsum3A_449 : vector<16xi32>
        %sub3A_459 = arith.constant 1 : i32
        %sub3A_460 = vector.broadcast %sub3A_459 : i32 to vector<16xi32>
        %sub3A_461 = arith.subi %add3A_458, %sub3A_460 : vector<16xi32>
        %add3A_462 = arith.addi %sub3A_140, %while3A_427 : vector<16xi32>
        %add3A_463 = arith.addi %add3A_462, %masked_cumsum3A_457 : vector<16xi32>
        %sub3A_464 = arith.constant 1 : i32
        %sub3A_465 = vector.broadcast %sub3A_464 : i32 to vector<16xi32>
        %sub3A_466 = arith.subi %add3A_463, %sub3A_465 : vector<16xi32>
        %lt3A_467 = arith.cmpi slt, %sub3A_466, %broadcast_in_dim3A_5 : vector<16xi32>
        %and3A_468 = arith.andi %and3A_443, %lt3A_467 : vector<16xi1>
        tpu.vector_store_idx %arg9[%sub3A_461], %get3A_431 masked %and3A_442 : memref<512xi32, #tpu.memory_space<vmem>>[vector<16xi32>], vector<16xi32>, vector<16xi1>
        tpu.vector_store_idx %arg10[%sub3A_461], %get3A_435 masked %and3A_442 : memref<512xi32, #tpu.memory_space<vmem>>[vector<16xi32>], vector<16xi32>, vector<16xi1>
        tpu.vector_store_idx %arg9[%sub3A_466], %get3A_431 masked %and3A_468 : memref<512xi32, #tpu.memory_space<vmem>>[vector<16xi32>], vector<16xi32>, vector<16xi1>
        tpu.vector_store_idx %arg10[%sub3A_466], %get3A_435 masked %and3A_468 : memref<512xi32, #tpu.memory_space<vmem>>[vector<16xi32>], vector<16xi32>, vector<16xi1>
        %all_reduce_population_count3A = tpu.all_reduce %and3A_442 {dim = 0 : i64, kind = #tpu.reduction_kind<sum>} : vector<16xi1> -> vector<16xi32>
        %add3A_469 = arith.addi %while3A_426, %all_reduce_population_count3A : vector<16xi32>
        %all_reduce_population_count3A_470 = tpu.all_reduce %and3A_443 {dim = 0 : i64, kind = #tpu.reduction_kind<sum>} : vector<16xi1> -> vector<16xi32>
        %add3A_471 = arith.addi %while3A_427, %all_reduce_population_count3A_470 : vector<16xi32>
        scf.yield %add3A_469, %add3A_471 : vector<16xi32>, vector<16xi32>
      }
      %swap3A = arith.constant 0 : index
      %swap3A_164 = tpu.vector_load %arg14[%swap3A] {strides = array<i32>} : memref<64xi32, #tpu.memory_space<vmem>>, vector<16xi32>,
      tpu.vector_store %arg14[%swap3A], %broadcast_in_dim3A_3 {strides = array<i32>} : memref<64xi32, #tpu.memory_space<vmem>>, vector<16xi32>,
      %swap3A_165 = arith.constant 16 : index
      %swap3A_166 = tpu.vector_load %arg14[%swap3A_165] {strides = array<i32>} : memref<64xi32, #tpu.memory_space<vmem>>, vector<16xi32>,
      tpu.vector_store %arg14[%swap3A_165], %broadcast_in_dim3A_3 {strides = array<i32>} : memref<64xi32, #tpu.memory_space<vmem>>, vector<16xi32>,
      %parallel_loop3A_167 = arith.constant 0 : i32
      %parallel_loop3A_168 = arith.constant 32 : i32
      %parallel_loop3A_169 = arith.constant 1 : i32
      scf.for %parallel_loop3A_425 = %parallel_loop3A_167 to %parallel_loop3A_168 step %parallel_loop3A_169  : i32 {
        %parallel_loop3A_426 = arith.constant 16 : i32
        %parallel_loop3A_427 = arith.muli %parallel_loop3A_425, %parallel_loop3A_426 : i32
        %parallel_loop3A_428 = arith.index_cast %parallel_loop3A_427 : i32 to index
        %parallel_loop3A_429 = tpu.vector_load %arg9[%parallel_loop3A_428] {strides = array<i32>} : memref<512xi32, #tpu.memory_space<vmem>>, vector<16xi32>,
        %parallel_loop3A_430 = arith.constant 0 : i32
        %parallel_loop3A_431 = vector.broadcast %parallel_loop3A_430 : i32 to vector<16xi32>
        %parallel_loop3A_432 = arith.shrsi %parallel_loop3A_429, %parallel_loop3A_431 : vector<16xi32>
        %parallel_loop3A_433 = arith.constant 31 : i32
        %parallel_loop3A_434 = vector.broadcast %parallel_loop3A_433 : i32 to vector<16xi32>
        %parallel_loop3A_435 = arith.andi %parallel_loop3A_432, %parallel_loop3A_434 : vector<16xi32>
        %parallel_loop3A_436 = arith.constant 31 : i32
        %parallel_loop3A_437 = vector.broadcast %parallel_loop3A_436 : i32 to vector<16xi32>
        %parallel_loop3A_438 = arith.subi %parallel_loop3A_437, %parallel_loop3A_435 : vector<16xi32>
        tpu.vector_store_idx %arg14[%parallel_loop3A_438], %broadcast_in_dim3A_1 {add = true} : memref<64xi32, #tpu.memory_space<vmem>>[vector<16xi32>], vector<16xi32>,
      } {sc.loop_unroll_factor = 4 : i64, sc.parallel_access}
      %get3A = arith.constant 0 : index
      %get3A_170 = tpu.vector_load %arg14[%get3A] {strides = array<i32>} : memref<64xi32, #tpu.memory_space<vmem>>, vector<16xi32>,
      %broadcast_in_dim3A_171 = arith.constant true
      %broadcast_in_dim3A_172 = vector.broadcast %broadcast_in_dim3A_171 : i1 to vector<16xi1>
      %masked_cumsum3A = tpu.scan <sum>, %get3A_170 masked %broadcast_in_dim3A_172 : vector<16xi32>, vector<16xi1> -> vector<16xi32>
      %add3A_173 = arith.addi %broadcast_in_dim3A_3, %masked_cumsum3A : vector<16xi32>
      %sub3A_174 = arith.subi %add3A_173, %get3A_170 : vector<16xi32>
      %swap3A_175 = arith.constant 0 : index
      %swap3A_176 = tpu.vector_load %arg15[%swap3A_175] {strides = array<i32>} : memref<64xi32, #tpu.memory_space<vmem>>, vector<16xi32>,
      tpu.vector_store %arg15[%swap3A_175], %sub3A_174 {strides = array<i32>} : memref<64xi32, #tpu.memory_space<vmem>>, vector<16xi32>,
      %broadcast_in_dim3A_177 = arith.constant 15 : i32
      %broadcast_in_dim3A_178 = vector.broadcast %broadcast_in_dim3A_177 : i32 to vector<16xi32>
      %broadcast_in_dim3A_179 = vector.shape_cast %broadcast_in_dim3A_178 : vector<16xi32> to vector<16x1xi32>
      %gather3A = vector.shape_cast %broadcast_in_dim3A_179 : vector<16x1xi32> to vector<16xi32>
      %gather3A_180 = tpu.dynamic_gather %masked_cumsum3A[%gather3A] in [0] : vector<16xi32>, vector<16xi32> -> vector<16xi32>
      %add3A_181 = arith.addi %broadcast_in_dim3A_3, %gather3A_180 : vector<16xi32>
      %get3A_182 = arith.constant 16 : index
      %get3A_183 = tpu.vector_load %arg14[%get3A_182] {strides = array<i32>} : memref<64xi32, #tpu.memory_space<vmem>>, vector<16xi32>,
      %broadcast_in_dim3A_184 = arith.constant true
      %broadcast_in_dim3A_185 = vector.broadcast %broadcast_in_dim3A_184 : i1 to vector<16xi1>
      %masked_cumsum3A_186 = tpu.scan <sum>, %get3A_183 masked %broadcast_in_dim3A_185 : vector<16xi32>, vector<16xi1> -> vector<16xi32>
      %add3A_187 = arith.addi %add3A_181, %masked_cumsum3A_186 : vector<16xi32>
      %sub3A_188 = arith.subi %add3A_187, %get3A_183 : vector<16xi32>
      %swap3A_189 = arith.constant 16 : index
      %swap3A_190 = tpu.vector_load %arg15[%swap3A_189] {strides = array<i32>} : memref<64xi32, #tpu.memory_space<vmem>>, vector<16xi32>,
      tpu.vector_store %arg15[%swap3A_189], %sub3A_188 {strides = array<i32>} : memref<64xi32, #tpu.memory_space<vmem>>, vector<16xi32>,
      %broadcast_in_dim3A_191 = arith.constant 15 : i32
      %broadcast_in_dim3A_192 = vector.broadcast %broadcast_in_dim3A_191 : i32 to vector<16xi32>
      %broadcast_in_dim3A_193 = vector.shape_cast %broadcast_in_dim3A_192 : vector<16xi32> to vector<16x1xi32>
      %gather3A_194 = vector.shape_cast %broadcast_in_dim3A_193 : vector<16x1xi32> to vector<16xi32>
      %gather3A_195 = tpu.dynamic_gather %masked_cumsum3A_186[%gather3A_194] in [0] : vector<16xi32>, vector<16xi32> -> vector<16xi32>
      %add3A_196 = arith.addi %add3A_181, %gather3A_195 : vector<16xi32>
      %scan3A_197 = arith.constant 0 : i32
      %scan3A_198 = arith.constant 0 : i32
      %scan3A_199 = arith.constant 32 : i32
      %scan3A_200 = arith.addi %scan3A_198, %scan3A_199 : i32
      %scan3A_201 = arith.constant 1 : i32
      %scan3A_202 = scf.for %scan3A_425 = %scan3A_198 to %scan3A_200 step %scan3A_201 iter_args(%scan3A_426 = %scan3A_197) -> (i32)  : i32 {
        %mul3A_427 = arith.constant 16 : i32
        %mul3A_428 = arith.muli %scan3A_425, %mul3A_427 : i32
        %get3A_429 = arith.index_cast %mul3A_428 : i32 to index
        %get3A_430 = tpu.vector_load %arg9[%get3A_429] {strides = array<i32>} : memref<512xi32, #tpu.memory_space<vmem>>, vector<16xi32>,
        %mul3A_431 = arith.constant 16 : i32
        %mul3A_432 = arith.muli %scan3A_425, %mul3A_431 : i32
        %get3A_433 = arith.index_cast %mul3A_432 : i32 to index
        %get3A_434 = tpu.vector_load %arg10[%get3A_433] {strides = array<i32>} : memref<512xi32, #tpu.memory_space<vmem>>, vector<16xi32>,
        %shift_right_arithmetic3A_435 = arith.constant 0 : i32
        %shift_right_arithmetic3A_436 = vector.broadcast %shift_right_arithmetic3A_435 : i32 to vector<16xi32>
        %shift_right_arithmetic3A_437 = arith.shrsi %get3A_430, %shift_right_arithmetic3A_436 : vector<16xi32>
        %and3A = arith.constant 31 : i32
        %and3A_438 = vector.broadcast %and3A : i32 to vector<16xi32>
        %and3A_439 = arith.andi %shift_right_arithmetic3A_437, %and3A_438 : vector<16xi32>
        %sub3A_440 = arith.constant 31 : i32
        %sub3A_441 = vector.broadcast %sub3A_440 : i32 to vector<16xi32>
        %sub3A_442 = arith.subi %sub3A_441, %and3A_439 : vector<16xi32>
        %broadcast_in_dim3A_443 = arith.constant true
        %broadcast_in_dim3A_444 = vector.broadcast %broadcast_in_dim3A_443 : i1 to vector<16xi1>
        %unique3A, %unique3A_445 = tpu.scan_count mask(%broadcast_in_dim3A_444 : vector<16xi1>) value(%sub3A_442 : vector<16xi32>) : vector<16xi1>, vector<16xi32>
        %gather3A_446 = tpu.vector_load_idx %arg15[%sub3A_442] : memref<64xi32, #tpu.memory_space<vmem>>[vector<16xi32>], vector<16xi32>,
        %add3A_447 = arith.addi %gather3A_446, %unique3A_445 : vector<16xi32>
        %sub3A_448 = arith.constant 1 : i32
        %sub3A_449 = vector.broadcast %sub3A_448 : i32 to vector<16xi32>
        %sub3A_450 = arith.subi %add3A_447, %sub3A_449 : vector<16xi32>
        tpu.vector_store_idx %arg11[%sub3A_450], %get3A_430 : memref<512xi32, #tpu.memory_space<vmem>>[vector<16xi32>], vector<16xi32>,
        tpu.vector_store_idx %arg12[%sub3A_450], %get3A_434 : memref<512xi32, #tpu.memory_space<vmem>>[vector<16xi32>], vector<16xi32>,
        tpu.vector_store_idx %arg15[%sub3A_442], %unique3A_445 masked %unique3A {add = true} : memref<64xi32, #tpu.memory_space<vmem>>[vector<16xi32>], vector<16xi32>, vector<16xi1>
        %scan3A_451 = arith.constant 0 : i32
        scf.yield %scan3A_451 : i32
      }
      %scan3A_203 = arith.constant 32 : i32
      %swap3A_204 = arith.constant 0 : index
      %swap3A_205 = tpu.vector_load %arg14[%swap3A_204] {strides = array<i32>} : memref<64xi32, #tpu.memory_space<vmem>>, vector<16xi32>,
      tpu.vector_store %arg14[%swap3A_204], %broadcast_in_dim3A_3 {strides = array<i32>} : memref<64xi32, #tpu.memory_space<vmem>>, vector<16xi32>,
      %swap3A_206 = arith.constant 16 : index
      %swap3A_207 = tpu.vector_load %arg14[%swap3A_206] {strides = array<i32>} : memref<64xi32, #tpu.memory_space<vmem>>, vector<16xi32>,
      tpu.vector_store %arg14[%swap3A_206], %broadcast_in_dim3A_3 {strides = array<i32>} : memref<64xi32, #tpu.memory_space<vmem>>, vector<16xi32>,
      %parallel_loop3A_208 = arith.constant 0 : i32
      %parallel_loop3A_209 = arith.constant 32 : i32
      %parallel_loop3A_210 = arith.constant 1 : i32
      scf.for %parallel_loop3A_425 = %parallel_loop3A_208 to %parallel_loop3A_209 step %parallel_loop3A_210  : i32 {
        %parallel_loop3A_426 = arith.constant 16 : i32
        %parallel_loop3A_427 = arith.muli %parallel_loop3A_425, %parallel_loop3A_426 : i32
        %parallel_loop3A_428 = arith.index_cast %parallel_loop3A_427 : i32 to index
        %parallel_loop3A_429 = tpu.vector_load %arg11[%parallel_loop3A_428] {strides = array<i32>} : memref<512xi32, #tpu.memory_space<vmem>>, vector<16xi32>,
        %parallel_loop3A_430 = arith.constant 5 : i32
        %parallel_loop3A_431 = vector.broadcast %parallel_loop3A_430 : i32 to vector<16xi32>
        %parallel_loop3A_432 = arith.shrsi %parallel_loop3A_429, %parallel_loop3A_431 : vector<16xi32>
        %parallel_loop3A_433 = arith.constant 31 : i32
        %parallel_loop3A_434 = vector.broadcast %parallel_loop3A_433 : i32 to vector<16xi32>
        %parallel_loop3A_435 = arith.andi %parallel_loop3A_432, %parallel_loop3A_434 : vector<16xi32>
        %parallel_loop3A_436 = arith.constant 31 : i32
        %parallel_loop3A_437 = vector.broadcast %parallel_loop3A_436 : i32 to vector<16xi32>
        %parallel_loop3A_438 = arith.subi %parallel_loop3A_437, %parallel_loop3A_435 : vector<16xi32>
        tpu.vector_store_idx %arg14[%parallel_loop3A_438], %broadcast_in_dim3A_1 {add = true} : memref<64xi32, #tpu.memory_space<vmem>>[vector<16xi32>], vector<16xi32>,
      } {sc.loop_unroll_factor = 4 : i64, sc.parallel_access}
      %get3A_211 = arith.constant 0 : index
      %get3A_212 = tpu.vector_load %arg14[%get3A_211] {strides = array<i32>} : memref<64xi32, #tpu.memory_space<vmem>>, vector<16xi32>,
      %broadcast_in_dim3A_213 = arith.constant true
      %broadcast_in_dim3A_214 = vector.broadcast %broadcast_in_dim3A_213 : i1 to vector<16xi1>
      %masked_cumsum3A_215 = tpu.scan <sum>, %get3A_212 masked %broadcast_in_dim3A_214 : vector<16xi32>, vector<16xi1> -> vector<16xi32>
      %add3A_216 = arith.addi %broadcast_in_dim3A_3, %masked_cumsum3A_215 : vector<16xi32>
      %sub3A_217 = arith.subi %add3A_216, %get3A_212 : vector<16xi32>
      %swap3A_218 = arith.constant 0 : index
      %swap3A_219 = tpu.vector_load %arg15[%swap3A_218] {strides = array<i32>} : memref<64xi32, #tpu.memory_space<vmem>>, vector<16xi32>,
      tpu.vector_store %arg15[%swap3A_218], %sub3A_217 {strides = array<i32>} : memref<64xi32, #tpu.memory_space<vmem>>, vector<16xi32>,
      %broadcast_in_dim3A_220 = arith.constant 15 : i32
      %broadcast_in_dim3A_221 = vector.broadcast %broadcast_in_dim3A_220 : i32 to vector<16xi32>
      %broadcast_in_dim3A_222 = vector.shape_cast %broadcast_in_dim3A_221 : vector<16xi32> to vector<16x1xi32>
      %gather3A_223 = vector.shape_cast %broadcast_in_dim3A_222 : vector<16x1xi32> to vector<16xi32>
      %gather3A_224 = tpu.dynamic_gather %masked_cumsum3A_215[%gather3A_223] in [0] : vector<16xi32>, vector<16xi32> -> vector<16xi32>
      %add3A_225 = arith.addi %broadcast_in_dim3A_3, %gather3A_224 : vector<16xi32>
      %get3A_226 = arith.constant 16 : index
      %get3A_227 = tpu.vector_load %arg14[%get3A_226] {strides = array<i32>} : memref<64xi32, #tpu.memory_space<vmem>>, vector<16xi32>,
      %broadcast_in_dim3A_228 = arith.constant true
      %broadcast_in_dim3A_229 = vector.broadcast %broadcast_in_dim3A_228 : i1 to vector<16xi1>
      %masked_cumsum3A_230 = tpu.scan <sum>, %get3A_227 masked %broadcast_in_dim3A_229 : vector<16xi32>, vector<16xi1> -> vector<16xi32>
      %add3A_231 = arith.addi %add3A_225, %masked_cumsum3A_230 : vector<16xi32>
      %sub3A_232 = arith.subi %add3A_231, %get3A_227 : vector<16xi32>
      %swap3A_233 = arith.constant 16 : index
      %swap3A_234 = tpu.vector_load %arg15[%swap3A_233] {strides = array<i32>} : memref<64xi32, #tpu.memory_space<vmem>>, vector<16xi32>,
      tpu.vector_store %arg15[%swap3A_233], %sub3A_232 {strides = array<i32>} : memref<64xi32, #tpu.memory_space<vmem>>, vector<16xi32>,
      %broadcast_in_dim3A_235 = arith.constant 15 : i32
      %broadcast_in_dim3A_236 = vector.broadcast %broadcast_in_dim3A_235 : i32 to vector<16xi32>
      %broadcast_in_dim3A_237 = vector.shape_cast %broadcast_in_dim3A_236 : vector<16xi32> to vector<16x1xi32>
      %gather3A_238 = vector.shape_cast %broadcast_in_dim3A_237 : vector<16x1xi32> to vector<16xi32>
      %gather3A_239 = tpu.dynamic_gather %masked_cumsum3A_230[%gather3A_238] in [0] : vector<16xi32>, vector<16xi32> -> vector<16xi32>
      %add3A_240 = arith.addi %add3A_225, %gather3A_239 : vector<16xi32>
      %scan3A_241 = arith.constant 0 : i32
      %scan3A_242 = arith.constant 0 : i32
      %scan3A_243 = arith.constant 32 : i32
      %scan3A_244 = arith.addi %scan3A_242, %scan3A_243 : i32
      %scan3A_245 = arith.constant 1 : i32
      %scan3A_246 = scf.for %scan3A_425 = %scan3A_242 to %scan3A_244 step %scan3A_245 iter_args(%scan3A_426 = %scan3A_241) -> (i32)  : i32 {
        %mul3A_427 = arith.constant 16 : i32
        %mul3A_428 = arith.muli %scan3A_425, %mul3A_427 : i32
        %get3A_429 = arith.index_cast %mul3A_428 : i32 to index
        %get3A_430 = tpu.vector_load %arg11[%get3A_429] {strides = array<i32>} : memref<512xi32, #tpu.memory_space<vmem>>, vector<16xi32>,
        %mul3A_431 = arith.constant 16 : i32
        %mul3A_432 = arith.muli %scan3A_425, %mul3A_431 : i32
        %get3A_433 = arith.index_cast %mul3A_432 : i32 to index
        %get3A_434 = tpu.vector_load %arg12[%get3A_433] {strides = array<i32>} : memref<512xi32, #tpu.memory_space<vmem>>, vector<16xi32>,
        %shift_right_arithmetic3A_435 = arith.constant 5 : i32
        %shift_right_arithmetic3A_436 = vector.broadcast %shift_right_arithmetic3A_435 : i32 to vector<16xi32>
        %shift_right_arithmetic3A_437 = arith.shrsi %get3A_430, %shift_right_arithmetic3A_436 : vector<16xi32>
        %and3A = arith.constant 31 : i32
        %and3A_438 = vector.broadcast %and3A : i32 to vector<16xi32>
        %and3A_439 = arith.andi %shift_right_arithmetic3A_437, %and3A_438 : vector<16xi32>
        %sub3A_440 = arith.constant 31 : i32
        %sub3A_441 = vector.broadcast %sub3A_440 : i32 to vector<16xi32>
        %sub3A_442 = arith.subi %sub3A_441, %and3A_439 : vector<16xi32>
        %broadcast_in_dim3A_443 = arith.constant true
        %broadcast_in_dim3A_444 = vector.broadcast %broadcast_in_dim3A_443 : i1 to vector<16xi1>
        %unique3A, %unique3A_445 = tpu.scan_count mask(%broadcast_in_dim3A_444 : vector<16xi1>) value(%sub3A_442 : vector<16xi32>) : vector<16xi1>, vector<16xi32>
        %gather3A_446 = tpu.vector_load_idx %arg15[%sub3A_442] : memref<64xi32, #tpu.memory_space<vmem>>[vector<16xi32>], vector<16xi32>,
        %add3A_447 = arith.addi %gather3A_446, %unique3A_445 : vector<16xi32>
        %sub3A_448 = arith.constant 1 : i32
        %sub3A_449 = vector.broadcast %sub3A_448 : i32 to vector<16xi32>
        %sub3A_450 = arith.subi %add3A_447, %sub3A_449 : vector<16xi32>
        tpu.vector_store_idx %arg9[%sub3A_450], %get3A_430 : memref<512xi32, #tpu.memory_space<vmem>>[vector<16xi32>], vector<16xi32>,
        tpu.vector_store_idx %arg10[%sub3A_450], %get3A_434 : memref<512xi32, #tpu.memory_space<vmem>>[vector<16xi32>], vector<16xi32>,
        tpu.vector_store_idx %arg15[%sub3A_442], %unique3A_445 masked %unique3A {add = true} : memref<64xi32, #tpu.memory_space<vmem>>[vector<16xi32>], vector<16xi32>, vector<16xi1>
        %scan3A_451 = arith.constant 0 : i32
        scf.yield %scan3A_451 : i32
      }
      %scan3A_247 = arith.constant 32 : i32
      %swap3A_248 = arith.constant 0 : index
      %swap3A_249 = tpu.vector_load %arg14[%swap3A_248] {strides = array<i32>} : memref<64xi32, #tpu.memory_space<vmem>>, vector<16xi32>,
      tpu.vector_store %arg14[%swap3A_248], %broadcast_in_dim3A_3 {strides = array<i32>} : memref<64xi32, #tpu.memory_space<vmem>>, vector<16xi32>,
      %swap3A_250 = arith.constant 16 : index
      %swap3A_251 = tpu.vector_load %arg14[%swap3A_250] {strides = array<i32>} : memref<64xi32, #tpu.memory_space<vmem>>, vector<16xi32>,
      tpu.vector_store %arg14[%swap3A_250], %broadcast_in_dim3A_3 {strides = array<i32>} : memref<64xi32, #tpu.memory_space<vmem>>, vector<16xi32>,
      %parallel_loop3A_252 = arith.constant 0 : i32
      %parallel_loop3A_253 = arith.constant 32 : i32
      %parallel_loop3A_254 = arith.constant 1 : i32
      scf.for %parallel_loop3A_425 = %parallel_loop3A_252 to %parallel_loop3A_253 step %parallel_loop3A_254  : i32 {
        %parallel_loop3A_426 = arith.constant 16 : i32
        %parallel_loop3A_427 = arith.muli %parallel_loop3A_425, %parallel_loop3A_426 : i32
        %parallel_loop3A_428 = arith.index_cast %parallel_loop3A_427 : i32 to index
        %parallel_loop3A_429 = tpu.vector_load %arg9[%parallel_loop3A_428] {strides = array<i32>} : memref<512xi32, #tpu.memory_space<vmem>>, vector<16xi32>,
        %parallel_loop3A_430 = arith.constant 10 : i32
        %parallel_loop3A_431 = vector.broadcast %parallel_loop3A_430 : i32 to vector<16xi32>
        %parallel_loop3A_432 = arith.shrsi %parallel_loop3A_429, %parallel_loop3A_431 : vector<16xi32>
        %parallel_loop3A_433 = arith.constant 31 : i32
        %parallel_loop3A_434 = vector.broadcast %parallel_loop3A_433 : i32 to vector<16xi32>
        %parallel_loop3A_435 = arith.andi %parallel_loop3A_432, %parallel_loop3A_434 : vector<16xi32>
        %parallel_loop3A_436 = arith.constant 31 : i32
        %parallel_loop3A_437 = vector.broadcast %parallel_loop3A_436 : i32 to vector<16xi32>
        %parallel_loop3A_438 = arith.subi %parallel_loop3A_437, %parallel_loop3A_435 : vector<16xi32>
        tpu.vector_store_idx %arg14[%parallel_loop3A_438], %broadcast_in_dim3A_1 {add = true} : memref<64xi32, #tpu.memory_space<vmem>>[vector<16xi32>], vector<16xi32>,
      } {sc.loop_unroll_factor = 4 : i64, sc.parallel_access}
      %get3A_255 = arith.constant 0 : index
      %get3A_256 = tpu.vector_load %arg14[%get3A_255] {strides = array<i32>} : memref<64xi32, #tpu.memory_space<vmem>>, vector<16xi32>,
      %broadcast_in_dim3A_257 = arith.constant true
      %broadcast_in_dim3A_258 = vector.broadcast %broadcast_in_dim3A_257 : i1 to vector<16xi1>
      %masked_cumsum3A_259 = tpu.scan <sum>, %get3A_256 masked %broadcast_in_dim3A_258 : vector<16xi32>, vector<16xi1> -> vector<16xi32>
      %add3A_260 = arith.addi %broadcast_in_dim3A_3, %masked_cumsum3A_259 : vector<16xi32>
      %sub3A_261 = arith.subi %add3A_260, %get3A_256 : vector<16xi32>
      %swap3A_262 = arith.constant 0 : index
      %swap3A_263 = tpu.vector_load %arg15[%swap3A_262] {strides = array<i32>} : memref<64xi32, #tpu.memory_space<vmem>>, vector<16xi32>,
      tpu.vector_store %arg15[%swap3A_262], %sub3A_261 {strides = array<i32>} : memref<64xi32, #tpu.memory_space<vmem>>, vector<16xi32>,
      %broadcast_in_dim3A_264 = arith.constant 15 : i32
      %broadcast_in_dim3A_265 = vector.broadcast %broadcast_in_dim3A_264 : i32 to vector<16xi32>
      %broadcast_in_dim3A_266 = vector.shape_cast %broadcast_in_dim3A_265 : vector<16xi32> to vector<16x1xi32>
      %gather3A_267 = vector.shape_cast %broadcast_in_dim3A_266 : vector<16x1xi32> to vector<16xi32>
      %gather3A_268 = tpu.dynamic_gather %masked_cumsum3A_259[%gather3A_267] in [0] : vector<16xi32>, vector<16xi32> -> vector<16xi32>
      %add3A_269 = arith.addi %broadcast_in_dim3A_3, %gather3A_268 : vector<16xi32>
      %get3A_270 = arith.constant 16 : index
      %get3A_271 = tpu.vector_load %arg14[%get3A_270] {strides = array<i32>} : memref<64xi32, #tpu.memory_space<vmem>>, vector<16xi32>,
      %broadcast_in_dim3A_272 = arith.constant true
      %broadcast_in_dim3A_273 = vector.broadcast %broadcast_in_dim3A_272 : i1 to vector<16xi1>
      %masked_cumsum3A_274 = tpu.scan <sum>, %get3A_271 masked %broadcast_in_dim3A_273 : vector<16xi32>, vector<16xi1> -> vector<16xi32>
      %add3A_275 = arith.addi %add3A_269, %masked_cumsum3A_274 : vector<16xi32>
      %sub3A_276 = arith.subi %add3A_275, %get3A_271 : vector<16xi32>
      %swap3A_277 = arith.constant 16 : index
      %swap3A_278 = tpu.vector_load %arg15[%swap3A_277] {strides = array<i32>} : memref<64xi32, #tpu.memory_space<vmem>>, vector<16xi32>,
      tpu.vector_store %arg15[%swap3A_277], %sub3A_276 {strides = array<i32>} : memref<64xi32, #tpu.memory_space<vmem>>, vector<16xi32>,
      %broadcast_in_dim3A_279 = arith.constant 15 : i32
      %broadcast_in_dim3A_280 = vector.broadcast %broadcast_in_dim3A_279 : i32 to vector<16xi32>
      %broadcast_in_dim3A_281 = vector.shape_cast %broadcast_in_dim3A_280 : vector<16xi32> to vector<16x1xi32>
      %gather3A_282 = vector.shape_cast %broadcast_in_dim3A_281 : vector<16x1xi32> to vector<16xi32>
      %gather3A_283 = tpu.dynamic_gather %masked_cumsum3A_274[%gather3A_282] in [0] : vector<16xi32>, vector<16xi32> -> vector<16xi32>
      %add3A_284 = arith.addi %add3A_269, %gather3A_283 : vector<16xi32>
      %scan3A_285 = arith.constant 0 : i32
      %scan3A_286 = arith.constant 0 : i32
      %scan3A_287 = arith.constant 32 : i32
      %scan3A_288 = arith.addi %scan3A_286, %scan3A_287 : i32
      %scan3A_289 = arith.constant 1 : i32
      %scan3A_290 = scf.for %scan3A_425 = %scan3A_286 to %scan3A_288 step %scan3A_289 iter_args(%scan3A_426 = %scan3A_285) -> (i32)  : i32 {
        %mul3A_427 = arith.constant 16 : i32
        %mul3A_428 = arith.muli %scan3A_425, %mul3A_427 : i32
        %get3A_429 = arith.index_cast %mul3A_428 : i32 to index
        %get3A_430 = tpu.vector_load %arg9[%get3A_429] {strides = array<i32>} : memref<512xi32, #tpu.memory_space<vmem>>, vector<16xi32>,
        %mul3A_431 = arith.constant 16 : i32
        %mul3A_432 = arith.muli %scan3A_425, %mul3A_431 : i32
        %get3A_433 = arith.index_cast %mul3A_432 : i32 to index
        %get3A_434 = tpu.vector_load %arg10[%get3A_433] {strides = array<i32>} : memref<512xi32, #tpu.memory_space<vmem>>, vector<16xi32>,
        %shift_right_arithmetic3A_435 = arith.constant 10 : i32
        %shift_right_arithmetic3A_436 = vector.broadcast %shift_right_arithmetic3A_435 : i32 to vector<16xi32>
        %shift_right_arithmetic3A_437 = arith.shrsi %get3A_430, %shift_right_arithmetic3A_436 : vector<16xi32>
        %and3A = arith.constant 31 : i32
        %and3A_438 = vector.broadcast %and3A : i32 to vector<16xi32>
        %and3A_439 = arith.andi %shift_right_arithmetic3A_437, %and3A_438 : vector<16xi32>
        %sub3A_440 = arith.constant 31 : i32
        %sub3A_441 = vector.broadcast %sub3A_440 : i32 to vector<16xi32>
        %sub3A_442 = arith.subi %sub3A_441, %and3A_439 : vector<16xi32>
        %broadcast_in_dim3A_443 = arith.constant true
        %broadcast_in_dim3A_444 = vector.broadcast %broadcast_in_dim3A_443 : i1 to vector<16xi1>
        %unique3A, %unique3A_445 = tpu.scan_count mask(%broadcast_in_dim3A_444 : vector<16xi1>) value(%sub3A_442 : vector<16xi32>) : vector<16xi1>, vector<16xi32>
        %gather3A_446 = tpu.vector_load_idx %arg15[%sub3A_442] : memref<64xi32, #tpu.memory_space<vmem>>[vector<16xi32>], vector<16xi32>,
        %add3A_447 = arith.addi %gather3A_446, %unique3A_445 : vector<16xi32>
        %sub3A_448 = arith.constant 1 : i32
        %sub3A_449 = vector.broadcast %sub3A_448 : i32 to vector<16xi32>
        %sub3A_450 = arith.subi %add3A_447, %sub3A_449 : vector<16xi32>
        tpu.vector_store_idx %arg11[%sub3A_450], %get3A_430 : memref<512xi32, #tpu.memory_space<vmem>>[vector<16xi32>], vector<16xi32>,
        tpu.vector_store_idx %arg12[%sub3A_450], %get3A_434 : memref<512xi32, #tpu.memory_space<vmem>>[vector<16xi32>], vector<16xi32>,
        tpu.vector_store_idx %arg15[%sub3A_442], %unique3A_445 masked %unique3A {add = true} : memref<64xi32, #tpu.memory_space<vmem>>[vector<16xi32>], vector<16xi32>, vector<16xi1>
        %scan3A_451 = arith.constant 0 : i32
        scf.yield %scan3A_451 : i32
      }
      %scan3A_291 = arith.constant 32 : i32
      %swap3A_292 = arith.constant 0 : index
      %swap3A_293 = tpu.vector_load %arg14[%swap3A_292] {strides = array<i32>} : memref<64xi32, #tpu.memory_space<vmem>>, vector<16xi32>,
      tpu.vector_store %arg14[%swap3A_292], %broadcast_in_dim3A_3 {strides = array<i32>} : memref<64xi32, #tpu.memory_space<vmem>>, vector<16xi32>,
      %swap3A_294 = arith.constant 16 : index
      %swap3A_295 = tpu.vector_load %arg14[%swap3A_294] {strides = array<i32>} : memref<64xi32, #tpu.memory_space<vmem>>, vector<16xi32>,
      tpu.vector_store %arg14[%swap3A_294], %broadcast_in_dim3A_3 {strides = array<i32>} : memref<64xi32, #tpu.memory_space<vmem>>, vector<16xi32>,
      %parallel_loop3A_296 = arith.constant 0 : i32
      %parallel_loop3A_297 = arith.constant 32 : i32
      %parallel_loop3A_298 = arith.constant 1 : i32
      scf.for %parallel_loop3A_425 = %parallel_loop3A_296 to %parallel_loop3A_297 step %parallel_loop3A_298  : i32 {
        %parallel_loop3A_426 = arith.constant 16 : i32
        %parallel_loop3A_427 = arith.muli %parallel_loop3A_425, %parallel_loop3A_426 : i32
        %parallel_loop3A_428 = arith.index_cast %parallel_loop3A_427 : i32 to index
        %parallel_loop3A_429 = tpu.vector_load %arg11[%parallel_loop3A_428] {strides = array<i32>} : memref<512xi32, #tpu.memory_space<vmem>>, vector<16xi32>,
        %parallel_loop3A_430 = arith.constant 15 : i32
        %parallel_loop3A_431 = vector.broadcast %parallel_loop3A_430 : i32 to vector<16xi32>
        %parallel_loop3A_432 = arith.shrsi %parallel_loop3A_429, %parallel_loop3A_431 : vector<16xi32>
        %parallel_loop3A_433 = arith.constant 31 : i32
        %parallel_loop3A_434 = vector.broadcast %parallel_loop3A_433 : i32 to vector<16xi32>
        %parallel_loop3A_435 = arith.andi %parallel_loop3A_432, %parallel_loop3A_434 : vector<16xi32>
        %parallel_loop3A_436 = arith.constant 31 : i32
        %parallel_loop3A_437 = vector.broadcast %parallel_loop3A_436 : i32 to vector<16xi32>
        %parallel_loop3A_438 = arith.subi %parallel_loop3A_437, %parallel_loop3A_435 : vector<16xi32>
        tpu.vector_store_idx %arg14[%parallel_loop3A_438], %broadcast_in_dim3A_1 {add = true} : memref<64xi32, #tpu.memory_space<vmem>>[vector<16xi32>], vector<16xi32>,
      } {sc.loop_unroll_factor = 4 : i64, sc.parallel_access}
      %get3A_299 = arith.constant 0 : index
      %get3A_300 = tpu.vector_load %arg14[%get3A_299] {strides = array<i32>} : memref<64xi32, #tpu.memory_space<vmem>>, vector<16xi32>,
      %broadcast_in_dim3A_301 = arith.constant true
      %broadcast_in_dim3A_302 = vector.broadcast %broadcast_in_dim3A_301 : i1 to vector<16xi1>
      %masked_cumsum3A_303 = tpu.scan <sum>, %get3A_300 masked %broadcast_in_dim3A_302 : vector<16xi32>, vector<16xi1> -> vector<16xi32>
      %add3A_304 = arith.addi %broadcast_in_dim3A_3, %masked_cumsum3A_303 : vector<16xi32>
      %sub3A_305 = arith.subi %add3A_304, %get3A_300 : vector<16xi32>
      %swap3A_306 = arith.constant 0 : index
      %swap3A_307 = tpu.vector_load %arg15[%swap3A_306] {strides = array<i32>} : memref<64xi32, #tpu.memory_space<vmem>>, vector<16xi32>,
      tpu.vector_store %arg15[%swap3A_306], %sub3A_305 {strides = array<i32>} : memref<64xi32, #tpu.memory_space<vmem>>, vector<16xi32>,
      %broadcast_in_dim3A_308 = arith.constant 15 : i32
      %broadcast_in_dim3A_309 = vector.broadcast %broadcast_in_dim3A_308 : i32 to vector<16xi32>
      %broadcast_in_dim3A_310 = vector.shape_cast %broadcast_in_dim3A_309 : vector<16xi32> to vector<16x1xi32>
      %gather3A_311 = vector.shape_cast %broadcast_in_dim3A_310 : vector<16x1xi32> to vector<16xi32>
      %gather3A_312 = tpu.dynamic_gather %masked_cumsum3A_303[%gather3A_311] in [0] : vector<16xi32>, vector<16xi32> -> vector<16xi32>
      %add3A_313 = arith.addi %broadcast_in_dim3A_3, %gather3A_312 : vector<16xi32>
      %get3A_314 = arith.constant 16 : index
      %get3A_315 = tpu.vector_load %arg14[%get3A_314] {strides = array<i32>} : memref<64xi32, #tpu.memory_space<vmem>>, vector<16xi32>,
      %broadcast_in_dim3A_316 = arith.constant true
      %broadcast_in_dim3A_317 = vector.broadcast %broadcast_in_dim3A_316 : i1 to vector<16xi1>
      %masked_cumsum3A_318 = tpu.scan <sum>, %get3A_315 masked %broadcast_in_dim3A_317 : vector<16xi32>, vector<16xi1> -> vector<16xi32>
      %add3A_319 = arith.addi %add3A_313, %masked_cumsum3A_318 : vector<16xi32>
      %sub3A_320 = arith.subi %add3A_319, %get3A_315 : vector<16xi32>
      %swap3A_321 = arith.constant 16 : index
      %swap3A_322 = tpu.vector_load %arg15[%swap3A_321] {strides = array<i32>} : memref<64xi32, #tpu.memory_space<vmem>>, vector<16xi32>,
      tpu.vector_store %arg15[%swap3A_321], %sub3A_320 {strides = array<i32>} : memref<64xi32, #tpu.memory_space<vmem>>, vector<16xi32>,
      %broadcast_in_dim3A_323 = arith.constant 15 : i32
      %broadcast_in_dim3A_324 = vector.broadcast %broadcast_in_dim3A_323 : i32 to vector<16xi32>
      %broadcast_in_dim3A_325 = vector.shape_cast %broadcast_in_dim3A_324 : vector<16xi32> to vector<16x1xi32>
      %gather3A_326 = vector.shape_cast %broadcast_in_dim3A_325 : vector<16x1xi32> to vector<16xi32>
      %gather3A_327 = tpu.dynamic_gather %masked_cumsum3A_318[%gather3A_326] in [0] : vector<16xi32>, vector<16xi32> -> vector<16xi32>
      %add3A_328 = arith.addi %add3A_313, %gather3A_327 : vector<16xi32>
      %scan3A_329 = arith.constant 0 : i32
      %scan3A_330 = arith.constant 0 : i32
      %scan3A_331 = arith.constant 32 : i32
      %scan3A_332 = arith.addi %scan3A_330, %scan3A_331 : i32
      %scan3A_333 = arith.constant 1 : i32
      %scan3A_334 = scf.for %scan3A_425 = %scan3A_330 to %scan3A_332 step %scan3A_333 iter_args(%scan3A_426 = %scan3A_329) -> (i32)  : i32 {
        %mul3A_427 = arith.constant 16 : i32
        %mul3A_428 = arith.muli %scan3A_425, %mul3A_427 : i32
        %get3A_429 = arith.index_cast %mul3A_428 : i32 to index
        %get3A_430 = tpu.vector_load %arg11[%get3A_429] {strides = array<i32>} : memref<512xi32, #tpu.memory_space<vmem>>, vector<16xi32>,
        %mul3A_431 = arith.constant 16 : i32
        %mul3A_432 = arith.muli %scan3A_425, %mul3A_431 : i32
        %get3A_433 = arith.index_cast %mul3A_432 : i32 to index
        %get3A_434 = tpu.vector_load %arg12[%get3A_433] {strides = array<i32>} : memref<512xi32, #tpu.memory_space<vmem>>, vector<16xi32>,
        %shift_right_arithmetic3A_435 = arith.constant 15 : i32
        %shift_right_arithmetic3A_436 = vector.broadcast %shift_right_arithmetic3A_435 : i32 to vector<16xi32>
        %shift_right_arithmetic3A_437 = arith.shrsi %get3A_430, %shift_right_arithmetic3A_436 : vector<16xi32>
        %and3A = arith.constant 31 : i32
        %and3A_438 = vector.broadcast %and3A : i32 to vector<16xi32>
        %and3A_439 = arith.andi %shift_right_arithmetic3A_437, %and3A_438 : vector<16xi32>
        %sub3A_440 = arith.constant 31 : i32
        %sub3A_441 = vector.broadcast %sub3A_440 : i32 to vector<16xi32>
        %sub3A_442 = arith.subi %sub3A_441, %and3A_439 : vector<16xi32>
        %broadcast_in_dim3A_443 = arith.constant true
        %broadcast_in_dim3A_444 = vector.broadcast %broadcast_in_dim3A_443 : i1 to vector<16xi1>
        %unique3A, %unique3A_445 = tpu.scan_count mask(%broadcast_in_dim3A_444 : vector<16xi1>) value(%sub3A_442 : vector<16xi32>) : vector<16xi1>, vector<16xi32>
        %gather3A_446 = tpu.vector_load_idx %arg15[%sub3A_442] : memref<64xi32, #tpu.memory_space<vmem>>[vector<16xi32>], vector<16xi32>,
        %add3A_447 = arith.addi %gather3A_446, %unique3A_445 : vector<16xi32>
        %sub3A_448 = arith.constant 1 : i32
        %sub3A_449 = vector.broadcast %sub3A_448 : i32 to vector<16xi32>
        %sub3A_450 = arith.subi %add3A_447, %sub3A_449 : vector<16xi32>
        tpu.vector_store_idx %arg9[%sub3A_450], %get3A_430 : memref<512xi32, #tpu.memory_space<vmem>>[vector<16xi32>], vector<16xi32>,
        tpu.vector_store_idx %arg10[%sub3A_450], %get3A_434 : memref<512xi32, #tpu.memory_space<vmem>>[vector<16xi32>], vector<16xi32>,
        tpu.vector_store_idx %arg15[%sub3A_442], %unique3A_445 masked %unique3A {add = true} : memref<64xi32, #tpu.memory_space<vmem>>[vector<16xi32>], vector<16xi32>, vector<16xi1>
        %scan3A_451 = arith.constant 0 : i32
        scf.yield %scan3A_451 : i32
      }
      %scan3A_335 = arith.constant 32 : i32
      %swap3A_336 = arith.constant 0 : index
      %swap3A_337 = tpu.vector_load %arg14[%swap3A_336] {strides = array<i32>} : memref<64xi32, #tpu.memory_space<vmem>>, vector<16xi32>,
      tpu.vector_store %arg14[%swap3A_336], %broadcast_in_dim3A_3 {strides = array<i32>} : memref<64xi32, #tpu.memory_space<vmem>>, vector<16xi32>,
      %swap3A_338 = arith.constant 16 : index
      %swap3A_339 = tpu.vector_load %arg14[%swap3A_338] {strides = array<i32>} : memref<64xi32, #tpu.memory_space<vmem>>, vector<16xi32>,
      tpu.vector_store %arg14[%swap3A_338], %broadcast_in_dim3A_3 {strides = array<i32>} : memref<64xi32, #tpu.memory_space<vmem>>, vector<16xi32>,
      %parallel_loop3A_340 = arith.constant 0 : i32
      %parallel_loop3A_341 = arith.constant 32 : i32
      %parallel_loop3A_342 = arith.constant 1 : i32
      scf.for %parallel_loop3A_425 = %parallel_loop3A_340 to %parallel_loop3A_341 step %parallel_loop3A_342  : i32 {
        %parallel_loop3A_426 = arith.constant 16 : i32
        %parallel_loop3A_427 = arith.muli %parallel_loop3A_425, %parallel_loop3A_426 : i32
        %parallel_loop3A_428 = arith.index_cast %parallel_loop3A_427 : i32 to index
        %parallel_loop3A_429 = tpu.vector_load %arg9[%parallel_loop3A_428] {strides = array<i32>} : memref<512xi32, #tpu.memory_space<vmem>>, vector<16xi32>,
        %parallel_loop3A_430 = arith.constant 20 : i32
        %parallel_loop3A_431 = vector.broadcast %parallel_loop3A_430 : i32 to vector<16xi32>
        %parallel_loop3A_432 = arith.shrsi %parallel_loop3A_429, %parallel_loop3A_431 : vector<16xi32>
        %parallel_loop3A_433 = arith.constant 31 : i32
        %parallel_loop3A_434 = vector.broadcast %parallel_loop3A_433 : i32 to vector<16xi32>
        %parallel_loop3A_435 = arith.andi %parallel_loop3A_432, %parallel_loop3A_434 : vector<16xi32>
        %parallel_loop3A_436 = arith.constant 31 : i32
        %parallel_loop3A_437 = vector.broadcast %parallel_loop3A_436 : i32 to vector<16xi32>
        %parallel_loop3A_438 = arith.subi %parallel_loop3A_437, %parallel_loop3A_435 : vector<16xi32>
        tpu.vector_store_idx %arg14[%parallel_loop3A_438], %broadcast_in_dim3A_1 {add = true} : memref<64xi32, #tpu.memory_space<vmem>>[vector<16xi32>], vector<16xi32>,
      } {sc.loop_unroll_factor = 4 : i64, sc.parallel_access}
      %get3A_343 = arith.constant 0 : index
      %get3A_344 = tpu.vector_load %arg14[%get3A_343] {strides = array<i32>} : memref<64xi32, #tpu.memory_space<vmem>>, vector<16xi32>,
      %broadcast_in_dim3A_345 = arith.constant true
      %broadcast_in_dim3A_346 = vector.broadcast %broadcast_in_dim3A_345 : i1 to vector<16xi1>
      %masked_cumsum3A_347 = tpu.scan <sum>, %get3A_344 masked %broadcast_in_dim3A_346 : vector<16xi32>, vector<16xi1> -> vector<16xi32>
      %add3A_348 = arith.addi %broadcast_in_dim3A_3, %masked_cumsum3A_347 : vector<16xi32>
      %sub3A_349 = arith.subi %add3A_348, %get3A_344 : vector<16xi32>
      %swap3A_350 = arith.constant 0 : index
      %swap3A_351 = tpu.vector_load %arg15[%swap3A_350] {strides = array<i32>} : memref<64xi32, #tpu.memory_space<vmem>>, vector<16xi32>,
      tpu.vector_store %arg15[%swap3A_350], %sub3A_349 {strides = array<i32>} : memref<64xi32, #tpu.memory_space<vmem>>, vector<16xi32>,
      %broadcast_in_dim3A_352 = arith.constant 15 : i32
      %broadcast_in_dim3A_353 = vector.broadcast %broadcast_in_dim3A_352 : i32 to vector<16xi32>
      %broadcast_in_dim3A_354 = vector.shape_cast %broadcast_in_dim3A_353 : vector<16xi32> to vector<16x1xi32>
      %gather3A_355 = vector.shape_cast %broadcast_in_dim3A_354 : vector<16x1xi32> to vector<16xi32>
      %gather3A_356 = tpu.dynamic_gather %masked_cumsum3A_347[%gather3A_355] in [0] : vector<16xi32>, vector<16xi32> -> vector<16xi32>
      %add3A_357 = arith.addi %broadcast_in_dim3A_3, %gather3A_356 : vector<16xi32>
      %get3A_358 = arith.constant 16 : index
      %get3A_359 = tpu.vector_load %arg14[%get3A_358] {strides = array<i32>} : memref<64xi32, #tpu.memory_space<vmem>>, vector<16xi32>,
      %broadcast_in_dim3A_360 = arith.constant true
      %broadcast_in_dim3A_361 = vector.broadcast %broadcast_in_dim3A_360 : i1 to vector<16xi1>
      %masked_cumsum3A_362 = tpu.scan <sum>, %get3A_359 masked %broadcast_in_dim3A_361 : vector<16xi32>, vector<16xi1> -> vector<16xi32>
      %add3A_363 = arith.addi %add3A_357, %masked_cumsum3A_362 : vector<16xi32>
      %sub3A_364 = arith.subi %add3A_363, %get3A_359 : vector<16xi32>
      %swap3A_365 = arith.constant 16 : index
      %swap3A_366 = tpu.vector_load %arg15[%swap3A_365] {strides = array<i32>} : memref<64xi32, #tpu.memory_space<vmem>>, vector<16xi32>,
      tpu.vector_store %arg15[%swap3A_365], %sub3A_364 {strides = array<i32>} : memref<64xi32, #tpu.memory_space<vmem>>, vector<16xi32>,
      %broadcast_in_dim3A_367 = arith.constant 15 : i32
      %broadcast_in_dim3A_368 = vector.broadcast %broadcast_in_dim3A_367 : i32 to vector<16xi32>
      %broadcast_in_dim3A_369 = vector.shape_cast %broadcast_in_dim3A_368 : vector<16xi32> to vector<16x1xi32>
      %gather3A_370 = vector.shape_cast %broadcast_in_dim3A_369 : vector<16x1xi32> to vector<16xi32>
      %gather3A_371 = tpu.dynamic_gather %masked_cumsum3A_362[%gather3A_370] in [0] : vector<16xi32>, vector<16xi32> -> vector<16xi32>
      %add3A_372 = arith.addi %add3A_357, %gather3A_371 : vector<16xi32>
      %scan3A_373 = arith.constant 0 : i32
      %scan3A_374 = arith.constant 0 : i32
      %scan3A_375 = arith.constant 32 : i32
      %scan3A_376 = arith.addi %scan3A_374, %scan3A_375 : i32
      %scan3A_377 = arith.constant 1 : i32
      %scan3A_378 = scf.for %scan3A_425 = %scan3A_374 to %scan3A_376 step %scan3A_377 iter_args(%scan3A_426 = %scan3A_373) -> (i32)  : i32 {
        %mul3A_427 = arith.constant 16 : i32
        %mul3A_428 = arith.muli %scan3A_425, %mul3A_427 : i32
        %get3A_429 = arith.index_cast %mul3A_428 : i32 to index
        %get3A_430 = tpu.vector_load %arg9[%get3A_429] {strides = array<i32>} : memref<512xi32, #tpu.memory_space<vmem>>, vector<16xi32>,
        %mul3A_431 = arith.constant 16 : i32
        %mul3A_432 = arith.muli %scan3A_425, %mul3A_431 : i32
        %get3A_433 = arith.index_cast %mul3A_432 : i32 to index
        %get3A_434 = tpu.vector_load %arg10[%get3A_433] {strides = array<i32>} : memref<512xi32, #tpu.memory_space<vmem>>, vector<16xi32>,
        %shift_right_arithmetic3A_435 = arith.constant 20 : i32
        %shift_right_arithmetic3A_436 = vector.broadcast %shift_right_arithmetic3A_435 : i32 to vector<16xi32>
        %shift_right_arithmetic3A_437 = arith.shrsi %get3A_430, %shift_right_arithmetic3A_436 : vector<16xi32>
        %and3A = arith.constant 31 : i32
        %and3A_438 = vector.broadcast %and3A : i32 to vector<16xi32>
        %and3A_439 = arith.andi %shift_right_arithmetic3A_437, %and3A_438 : vector<16xi32>
        %sub3A_440 = arith.constant 31 : i32
        %sub3A_441 = vector.broadcast %sub3A_440 : i32 to vector<16xi32>
        %sub3A_442 = arith.subi %sub3A_441, %and3A_439 : vector<16xi32>
        %broadcast_in_dim3A_443 = arith.constant true
        %broadcast_in_dim3A_444 = vector.broadcast %broadcast_in_dim3A_443 : i1 to vector<16xi1>
        %unique3A, %unique3A_445 = tpu.scan_count mask(%broadcast_in_dim3A_444 : vector<16xi1>) value(%sub3A_442 : vector<16xi32>) : vector<16xi1>, vector<16xi32>
        %gather3A_446 = tpu.vector_load_idx %arg15[%sub3A_442] : memref<64xi32, #tpu.memory_space<vmem>>[vector<16xi32>], vector<16xi32>,
        %add3A_447 = arith.addi %gather3A_446, %unique3A_445 : vector<16xi32>
        %sub3A_448 = arith.constant 1 : i32
        %sub3A_449 = vector.broadcast %sub3A_448 : i32 to vector<16xi32>
        %sub3A_450 = arith.subi %add3A_447, %sub3A_449 : vector<16xi32>
        tpu.vector_store_idx %arg11[%sub3A_450], %get3A_430 : memref<512xi32, #tpu.memory_space<vmem>>[vector<16xi32>], vector<16xi32>,
        tpu.vector_store_idx %arg12[%sub3A_450], %get3A_434 : memref<512xi32, #tpu.memory_space<vmem>>[vector<16xi32>], vector<16xi32>,
        tpu.vector_store_idx %arg15[%sub3A_442], %unique3A_445 masked %unique3A {add = true} : memref<64xi32, #tpu.memory_space<vmem>>[vector<16xi32>], vector<16xi32>, vector<16xi1>
        %scan3A_451 = arith.constant 0 : i32
        scf.yield %scan3A_451 : i32
      }
      %scan3A_379 = arith.constant 32 : i32
      %swap3A_380 = arith.constant 0 : index
      %swap3A_381 = tpu.vector_load %arg14[%swap3A_380] {strides = array<i32>} : memref<64xi32, #tpu.memory_space<vmem>>, vector<16xi32>,
      tpu.vector_store %arg14[%swap3A_380], %broadcast_in_dim3A_3 {strides = array<i32>} : memref<64xi32, #tpu.memory_space<vmem>>, vector<16xi32>,
      %swap3A_382 = arith.constant 16 : index
      %swap3A_383 = tpu.vector_load %arg14[%swap3A_382] {strides = array<i32>} : memref<64xi32, #tpu.memory_space<vmem>>, vector<16xi32>,
      tpu.vector_store %arg14[%swap3A_382], %broadcast_in_dim3A_3 {strides = array<i32>} : memref<64xi32, #tpu.memory_space<vmem>>, vector<16xi32>,
      %parallel_loop3A_384 = arith.constant 0 : i32
      %parallel_loop3A_385 = arith.constant 32 : i32
      %parallel_loop3A_386 = arith.constant 1 : i32
      scf.for %parallel_loop3A_425 = %parallel_loop3A_384 to %parallel_loop3A_385 step %parallel_loop3A_386  : i32 {
        %parallel_loop3A_426 = arith.constant 16 : i32
        %parallel_loop3A_427 = arith.muli %parallel_loop3A_425, %parallel_loop3A_426 : i32
        %parallel_loop3A_428 = arith.index_cast %parallel_loop3A_427 : i32 to index
        %parallel_loop3A_429 = tpu.vector_load %arg11[%parallel_loop3A_428] {strides = array<i32>} : memref<512xi32, #tpu.memory_space<vmem>>, vector<16xi32>,
        %parallel_loop3A_430 = arith.constant 25 : i32
        %parallel_loop3A_431 = vector.broadcast %parallel_loop3A_430 : i32 to vector<16xi32>
        %parallel_loop3A_432 = arith.shrsi %parallel_loop3A_429, %parallel_loop3A_431 : vector<16xi32>
        %parallel_loop3A_433 = arith.constant 31 : i32
        %parallel_loop3A_434 = vector.broadcast %parallel_loop3A_433 : i32 to vector<16xi32>
        %parallel_loop3A_435 = arith.andi %parallel_loop3A_432, %parallel_loop3A_434 : vector<16xi32>
        %parallel_loop3A_436 = arith.constant 31 : i32
        %parallel_loop3A_437 = vector.broadcast %parallel_loop3A_436 : i32 to vector<16xi32>
        %parallel_loop3A_438 = arith.subi %parallel_loop3A_437, %parallel_loop3A_435 : vector<16xi32>
        tpu.vector_store_idx %arg14[%parallel_loop3A_438], %broadcast_in_dim3A_1 {add = true} : memref<64xi32, #tpu.memory_space<vmem>>[vector<16xi32>], vector<16xi32>,
      } {sc.loop_unroll_factor = 4 : i64, sc.parallel_access}
      %get3A_387 = arith.constant 0 : index
      %get3A_388 = tpu.vector_load %arg14[%get3A_387] {strides = array<i32>} : memref<64xi32, #tpu.memory_space<vmem>>, vector<16xi32>,
      %broadcast_in_dim3A_389 = arith.constant true
      %broadcast_in_dim3A_390 = vector.broadcast %broadcast_in_dim3A_389 : i1 to vector<16xi1>
      %masked_cumsum3A_391 = tpu.scan <sum>, %get3A_388 masked %broadcast_in_dim3A_390 : vector<16xi32>, vector<16xi1> -> vector<16xi32>
      %add3A_392 = arith.addi %broadcast_in_dim3A_3, %masked_cumsum3A_391 : vector<16xi32>
      %sub3A_393 = arith.subi %add3A_392, %get3A_388 : vector<16xi32>
      %swap3A_394 = arith.constant 0 : index
      %swap3A_395 = tpu.vector_load %arg15[%swap3A_394] {strides = array<i32>} : memref<64xi32, #tpu.memory_space<vmem>>, vector<16xi32>,
      tpu.vector_store %arg15[%swap3A_394], %sub3A_393 {strides = array<i32>} : memref<64xi32, #tpu.memory_space<vmem>>, vector<16xi32>,
      %broadcast_in_dim3A_396 = arith.constant 15 : i32
      %broadcast_in_dim3A_397 = vector.broadcast %broadcast_in_dim3A_396 : i32 to vector<16xi32>
      %broadcast_in_dim3A_398 = vector.shape_cast %broadcast_in_dim3A_397 : vector<16xi32> to vector<16x1xi32>
      %gather3A_399 = vector.shape_cast %broadcast_in_dim3A_398 : vector<16x1xi32> to vector<16xi32>
      %gather3A_400 = tpu.dynamic_gather %masked_cumsum3A_391[%gather3A_399] in [0] : vector<16xi32>, vector<16xi32> -> vector<16xi32>
      %add3A_401 = arith.addi %broadcast_in_dim3A_3, %gather3A_400 : vector<16xi32>
      %get3A_402 = arith.constant 16 : index
      %get3A_403 = tpu.vector_load %arg14[%get3A_402] {strides = array<i32>} : memref<64xi32, #tpu.memory_space<vmem>>, vector<16xi32>,
      %broadcast_in_dim3A_404 = arith.constant true
      %broadcast_in_dim3A_405 = vector.broadcast %broadcast_in_dim3A_404 : i1 to vector<16xi1>
      %masked_cumsum3A_406 = tpu.scan <sum>, %get3A_403 masked %broadcast_in_dim3A_405 : vector<16xi32>, vector<16xi1> -> vector<16xi32>
      %add3A_407 = arith.addi %add3A_401, %masked_cumsum3A_406 : vector<16xi32>
      %sub3A_408 = arith.subi %add3A_407, %get3A_403 : vector<16xi32>
      %swap3A_409 = arith.constant 16 : index
      %swap3A_410 = tpu.vector_load %arg15[%swap3A_409] {strides = array<i32>} : memref<64xi32, #tpu.memory_space<vmem>>, vector<16xi32>,
      tpu.vector_store %arg15[%swap3A_409], %sub3A_408 {strides = array<i32>} : memref<64xi32, #tpu.memory_space<vmem>>, vector<16xi32>,
      %broadcast_in_dim3A_411 = arith.constant 15 : i32
      %broadcast_in_dim3A_412 = vector.broadcast %broadcast_in_dim3A_411 : i32 to vector<16xi32>
      %broadcast_in_dim3A_413 = vector.shape_cast %broadcast_in_dim3A_412 : vector<16xi32> to vector<16x1xi32>
      %gather3A_414 = vector.shape_cast %broadcast_in_dim3A_413 : vector<16x1xi32> to vector<16xi32>
      %gather3A_415 = tpu.dynamic_gather %masked_cumsum3A_406[%gather3A_414] in [0] : vector<16xi32>, vector<16xi32> -> vector<16xi32>
      %add3A_416 = arith.addi %add3A_401, %gather3A_415 : vector<16xi32>
      %scan3A_417 = arith.constant 0 : i32
      %scan3A_418 = arith.constant 0 : i32
      %scan3A_419 = arith.constant 32 : i32
      %scan3A_420 = arith.addi %scan3A_418, %scan3A_419 : i32
      %scan3A_421 = arith.constant 1 : i32
      %scan3A_422 = scf.for %scan3A_425 = %scan3A_418 to %scan3A_420 step %scan3A_421 iter_args(%scan3A_426 = %scan3A_417) -> (i32)  : i32 {
        %mul3A_427 = arith.constant 16 : i32
        %mul3A_428 = arith.muli %scan3A_425, %mul3A_427 : i32
        %get3A_429 = arith.index_cast %mul3A_428 : i32 to index
        %get3A_430 = tpu.vector_load %arg11[%get3A_429] {strides = array<i32>} : memref<512xi32, #tpu.memory_space<vmem>>, vector<16xi32>,
        %mul3A_431 = arith.constant 16 : i32
        %mul3A_432 = arith.muli %scan3A_425, %mul3A_431 : i32
        %get3A_433 = arith.index_cast %mul3A_432 : i32 to index
        %get3A_434 = tpu.vector_load %arg12[%get3A_433] {strides = array<i32>} : memref<512xi32, #tpu.memory_space<vmem>>, vector<16xi32>,
        %shift_right_arithmetic3A_435 = arith.constant 25 : i32
        %shift_right_arithmetic3A_436 = vector.broadcast %shift_right_arithmetic3A_435 : i32 to vector<16xi32>
        %shift_right_arithmetic3A_437 = arith.shrsi %get3A_430, %shift_right_arithmetic3A_436 : vector<16xi32>
        %and3A = arith.constant 31 : i32
        %and3A_438 = vector.broadcast %and3A : i32 to vector<16xi32>
        %and3A_439 = arith.andi %shift_right_arithmetic3A_437, %and3A_438 : vector<16xi32>
        %sub3A_440 = arith.constant 31 : i32
        %sub3A_441 = vector.broadcast %sub3A_440 : i32 to vector<16xi32>
        %sub3A_442 = arith.subi %sub3A_441, %and3A_439 : vector<16xi32>
        %broadcast_in_dim3A_443 = arith.constant true
        %broadcast_in_dim3A_444 = vector.broadcast %broadcast_in_dim3A_443 : i1 to vector<16xi1>
        %unique3A, %unique3A_445 = tpu.scan_count mask(%broadcast_in_dim3A_444 : vector<16xi1>) value(%sub3A_442 : vector<16xi32>) : vector<16xi1>, vector<16xi32>
        %gather3A_446 = tpu.vector_load_idx %arg15[%sub3A_442] : memref<64xi32, #tpu.memory_space<vmem>>[vector<16xi32>], vector<16xi32>,
        %add3A_447 = arith.addi %gather3A_446, %unique3A_445 : vector<16xi32>
        %sub3A_448 = arith.constant 1 : i32
        %sub3A_449 = vector.broadcast %sub3A_448 : i32 to vector<16xi32>
        %sub3A_450 = arith.subi %add3A_447, %sub3A_449 : vector<16xi32>
        %bitcast3A = vector.bitcast %get3A_430 : vector<16xi32> to vector<16xf32>
        tpu.vector_store_idx %arg13[%sub3A_450], %bitcast3A : memref<512xf32, #tpu.memory_space<vmem>>[vector<16xi32>], vector<16xf32>,
        tpu.vector_store_idx %arg10[%sub3A_450], %get3A_434 : memref<512xi32, #tpu.memory_space<vmem>>[vector<16xi32>], vector<16xi32>,
        tpu.vector_store_idx %arg15[%sub3A_442], %unique3A_445 masked %unique3A {add = true} : memref<64xi32, #tpu.memory_space<vmem>>[vector<16xi32>], vector<16xi32>, vector<16xi1>
        %scan3A_451 = arith.constant 0 : i32
        scf.yield %scan3A_451 : i32
      }
      %scan3A_423 = arith.constant 32 : i32
      "tpu.region"() ({
        %run_scoped3A = tpu.sem_alloc : memref<!tpu.dma_semaphore, #tpu.memory_space<semaphore_mem>>
        %dma_start3A = arith.constant 0 : i32
        %dma_start3A_425 = tpu.memref_slice %arg4[%add3A_18, %dma_start3A] : memref<64x512xf32, #tpu.memory_space<hbm>> -> memref<1x512xf32, #tpu.memory_space<hbm>>
        %dma_start3A_426 = tpu.memref_squeeze %dma_start3A_425 : memref<1x512xf32, #tpu.memory_space<hbm>> -> memref<512xf32, #tpu.memory_space<hbm>>
        %dma_start3A_427 = arith.constant 0 : i32
        %dma_start3A_428 = tpu.memref_slice %arg4[%add3A_18, %dma_start3A_427] : memref<64x512xf32, #tpu.memory_space<hbm>> -> memref<1x512xf32, #tpu.memory_space<hbm>>
        %dma_start3A_429 = tpu.memref_squeeze %dma_start3A_428 : memref<1x512xf32, #tpu.memory_space<hbm>> -> memref<512xf32, #tpu.memory_space<hbm>>
        tpu.enqueue_dma source(%arg13 : memref<512xf32, #tpu.memory_space<vmem>>) target(%dma_start3A_429 : memref<512xf32, #tpu.memory_space<hbm>>) target_semaphore(%run_scoped3A : memref<!tpu.dma_semaphore, #tpu.memory_space<semaphore_mem>>)
        %dma_wait3A = arith.constant 0 : i32
        %dma_wait3A_430 = tpu.memref_slice %arg4[%add3A_18, %dma_wait3A] : memref<64x512xf32, #tpu.memory_space<hbm>> -> memref<1x512xf32, #tpu.memory_space<hbm>>
        %dma_wait3A_431 = tpu.memref_squeeze %dma_wait3A_430 : memref<1x512xf32, #tpu.memory_space<hbm>> -> memref<512xf32, #tpu.memory_space<hbm>>
        %dma_wait3A_432 = arith.constant 0 : i32
        %dma_wait3A_433 = tpu.memref_slice %arg4[%add3A_18, %dma_wait3A_432] : memref<64x512xf32, #tpu.memory_space<hbm>> -> memref<1x512xf32, #tpu.memory_space<hbm>>
        %dma_wait3A_434 = tpu.memref_squeeze %dma_wait3A_433 : memref<1x512xf32, #tpu.memory_space<hbm>> -> memref<512xf32, #tpu.memory_space<hbm>>
        tpu.wait_dma2 semaphore(%run_scoped3A : memref<!tpu.dma_semaphore, #tpu.memory_space<semaphore_mem>>) src(%arg13 : memref<512xf32, #tpu.memory_space<vmem>>) dst(%dma_wait3A_434 : memref<512xf32, #tpu.memory_space<hbm>>)
        tpu.yield
      }) : () -> ()
      "tpu.region"() ({
        %run_scoped3A = tpu.sem_alloc : memref<!tpu.dma_semaphore, #tpu.memory_space<semaphore_mem>>
        %dma_start3A = arith.constant 0 : i32
        %dma_start3A_425 = tpu.memref_slice %arg3[%add3A_18, %dma_start3A] : memref<64x512xi32, #tpu.memory_space<hbm>> -> memref<1x512xi32, #tpu.memory_space<hbm>>
        %dma_start3A_426 = tpu.memref_squeeze %dma_start3A_425 : memref<1x512xi32, #tpu.memory_space<hbm>> -> memref<512xi32, #tpu.memory_space<hbm>>
        %dma_start3A_427 = arith.constant 0 : i32
        %dma_start3A_428 = tpu.memref_slice %arg3[%add3A_18, %dma_start3A_427] : memref<64x512xi32, #tpu.memory_space<hbm>> -> memref<1x512xi32, #tpu.memory_space<hbm>>
        %dma_start3A_429 = tpu.memref_squeeze %dma_start3A_428 : memref<1x512xi32, #tpu.memory_space<hbm>> -> memref<512xi32, #tpu.memory_space<hbm>>
        tpu.enqueue_dma source(%arg10 : memref<512xi32, #tpu.memory_space<vmem>>) target(%dma_start3A_429 : memref<512xi32, #tpu.memory_space<hbm>>) target_semaphore(%run_scoped3A : memref<!tpu.dma_semaphore, #tpu.memory_space<semaphore_mem>>)
        %dma_wait3A = arith.constant 0 : i32
        %dma_wait3A_430 = tpu.memref_slice %arg3[%add3A_18, %dma_wait3A] : memref<64x512xi32, #tpu.memory_space<hbm>> -> memref<1x512xi32, #tpu.memory_space<hbm>>
        %dma_wait3A_431 = tpu.memref_squeeze %dma_wait3A_430 : memref<1x512xi32, #tpu.memory_space<hbm>> -> memref<512xi32, #tpu.memory_space<hbm>>
        %dma_wait3A_432 = arith.constant 0 : i32
        %dma_wait3A_433 = tpu.memref_slice %arg3[%add3A_18, %dma_wait3A_432] : memref<64x512xi32, #tpu.memory_space<hbm>> -> memref<1x512xi32, #tpu.memory_space<hbm>>
        %dma_wait3A_434 = tpu.memref_squeeze %dma_wait3A_433 : memref<1x512xi32, #tpu.memory_space<hbm>> -> memref<512xi32, #tpu.memory_space<hbm>>
        tpu.wait_dma2 semaphore(%run_scoped3A : memref<!tpu.dma_semaphore, #tpu.memory_space<semaphore_mem>>) src(%arg10 : memref<512xi32, #tpu.memory_space<vmem>>) dst(%dma_wait3A_434 : memref<512xi32, #tpu.memory_space<hbm>>)
        tpu.yield
      }) : () -> ()
      %scan3A_424 = arith.constant 0 : i32
      scf.yield %scan3A_424 : i32
    }
    %scan3A_13 = arith.constant 2 : i32
    return
  }
}

module attributes {stable_mosaic.version = 14 : i64} {
  func.func @_scores_body(%arg0: i32, %arg1: i32, %arg2: memref<1x1024x2048xf32, #tpu.memory_space<vmem>>, %arg3: memref<16x2048xf32, #tpu.memory_space<vmem>>, %arg4: memref<1x16x1024xf32, #tpu.memory_space<vmem>>) attributes {dimension_semantics = [#tpu.dimension_semantics<arbitrary>, #tpu.dimension_semantics<arbitrary>], iteration_bounds = array<i64: 4, 4>, scalar_prefetch = 0 : i64, scratch_operands = 0 : i64, tpu.core_type = #tpu.core_type<tc>, window_params = [{transform_indices = @transform_0, window_bounds = array<i64: 1, 1024, 2048>}, {pipeline_mode = #tpu.pipeline_mode<synchronous>, transform_indices = @transform_1, window_bounds = array<i64: 16, 2048>}, {transform_indices = @transform_2, window_bounds = array<i64: 1, 16, 1024>}]} {
    %get3A = arith.constant 0 : index
    %get3A_0 = arith.constant 0 : index
    %get3A_1 = arith.constant 0 : index
    %get3A_2 = vector.load %arg2[%get3A, %get3A_0, %get3A_1] : memref<1x1024x2048xf32, #tpu.memory_space<vmem>>, vector<1x1024x2048xf32>
    %get3A_3 = vector.shape_cast %get3A_2 : vector<1x1024x2048xf32> to vector<1024x2048xf32>
    %get3A_4 = arith.constant 0 : index
    %get3A_5 = arith.constant 0 : index
    %get3A_6 = vector.load %arg3[%get3A_4, %get3A_5] : memref<16x2048xf32, #tpu.memory_space<vmem>>, vector<16x2048xf32>
    %dot_general3A = arith.constant dense<0.000000e+00> : vector<16x1024xf32>
    %dot_general3A_7 = tpu.matmul %get3A_6, %get3A_3, %dot_general3A {dimension_numbers = #tpu.dot_dimension_numbers<[1], [1], [0], [0], [0, 0, 1, 0], [], []>, transpose_lhs_hint = false} : vector<16x2048xf32>, vector<1024x2048xf32>, vector<16x1024xf32> -> vector<16x1024xf32>
    %reduce_max3A = arith.constant dense<0xFF800000> : vector<1024xf32>
    %reduce_max3A_8 = vector.multi_reduction <maximumf>, %dot_general3A_7, %reduce_max3A [0] : vector<16x1024xf32> to vector<1024xf32>
    %broadcast_in_dim3A = vector.shape_cast %reduce_max3A_8 : vector<1024xf32> to vector<1x1024xf32>
    %sub3A = vector.broadcast %broadcast_in_dim3A : vector<1x1024xf32> to vector<16x1024xf32>
    %sub3A_9 = arith.subf %dot_general3A_7, %sub3A : vector<16x1024xf32>
    %exp3A = math.exp %sub3A_9 : vector<16x1024xf32>
    %slice3A = vector.extract_strided_slice %exp3A {offsets = [0, 0], sizes = [1, 1024], strides = [1, 1]} : vector<16x1024xf32> to vector<1x1024xf32>
    %slice3A_10 = vector.extract_strided_slice %exp3A {offsets = [1, 0], sizes = [1, 1024], strides = [1, 1]} : vector<16x1024xf32> to vector<1x1024xf32>
    %add3A = arith.addf %slice3A, %slice3A_10 : vector<1x1024xf32>
    %slice3A_11 = vector.extract_strided_slice %exp3A {offsets = [2, 0], sizes = [1, 1024], strides = [1, 1]} : vector<16x1024xf32> to vector<1x1024xf32>
    %add3A_12 = arith.addf %add3A, %slice3A_11 : vector<1x1024xf32>
    %slice3A_13 = vector.extract_strided_slice %exp3A {offsets = [3, 0], sizes = [1, 1024], strides = [1, 1]} : vector<16x1024xf32> to vector<1x1024xf32>
    %add3A_14 = arith.addf %add3A_12, %slice3A_13 : vector<1x1024xf32>
    %slice3A_15 = vector.extract_strided_slice %exp3A {offsets = [4, 0], sizes = [1, 1024], strides = [1, 1]} : vector<16x1024xf32> to vector<1x1024xf32>
    %add3A_16 = arith.addf %add3A_14, %slice3A_15 : vector<1x1024xf32>
    %slice3A_17 = vector.extract_strided_slice %exp3A {offsets = [5, 0], sizes = [1, 1024], strides = [1, 1]} : vector<16x1024xf32> to vector<1x1024xf32>
    %add3A_18 = arith.addf %add3A_16, %slice3A_17 : vector<1x1024xf32>
    %slice3A_19 = vector.extract_strided_slice %exp3A {offsets = [6, 0], sizes = [1, 1024], strides = [1, 1]} : vector<16x1024xf32> to vector<1x1024xf32>
    %add3A_20 = arith.addf %add3A_18, %slice3A_19 : vector<1x1024xf32>
    %slice3A_21 = vector.extract_strided_slice %exp3A {offsets = [7, 0], sizes = [1, 1024], strides = [1, 1]} : vector<16x1024xf32> to vector<1x1024xf32>
    %add3A_22 = arith.addf %add3A_20, %slice3A_21 : vector<1x1024xf32>
    %slice3A_23 = vector.extract_strided_slice %exp3A {offsets = [8, 0], sizes = [1, 1024], strides = [1, 1]} : vector<16x1024xf32> to vector<1x1024xf32>
    %add3A_24 = arith.addf %add3A_22, %slice3A_23 : vector<1x1024xf32>
    %slice3A_25 = vector.extract_strided_slice %exp3A {offsets = [9, 0], sizes = [1, 1024], strides = [1, 1]} : vector<16x1024xf32> to vector<1x1024xf32>
    %add3A_26 = arith.addf %add3A_24, %slice3A_25 : vector<1x1024xf32>
    %slice3A_27 = vector.extract_strided_slice %exp3A {offsets = [10, 0], sizes = [1, 1024], strides = [1, 1]} : vector<16x1024xf32> to vector<1x1024xf32>
    %add3A_28 = arith.addf %add3A_26, %slice3A_27 : vector<1x1024xf32>
    %slice3A_29 = vector.extract_strided_slice %exp3A {offsets = [11, 0], sizes = [1, 1024], strides = [1, 1]} : vector<16x1024xf32> to vector<1x1024xf32>
    %add3A_30 = arith.addf %add3A_28, %slice3A_29 : vector<1x1024xf32>
    %slice3A_31 = vector.extract_strided_slice %exp3A {offsets = [12, 0], sizes = [1, 1024], strides = [1, 1]} : vector<16x1024xf32> to vector<1x1024xf32>
    %add3A_32 = arith.addf %add3A_30, %slice3A_31 : vector<1x1024xf32>
    %slice3A_33 = vector.extract_strided_slice %exp3A {offsets = [13, 0], sizes = [1, 1024], strides = [1, 1]} : vector<16x1024xf32> to vector<1x1024xf32>
    %add3A_34 = arith.addf %add3A_32, %slice3A_33 : vector<1x1024xf32>
    %slice3A_35 = vector.extract_strided_slice %exp3A {offsets = [14, 0], sizes = [1, 1024], strides = [1, 1]} : vector<16x1024xf32> to vector<1x1024xf32>
    %add3A_36 = arith.addf %add3A_34, %slice3A_35 : vector<1x1024xf32>
    %slice3A_37 = vector.extract_strided_slice %exp3A {offsets = [15, 0], sizes = [1, 1024], strides = [1, 1]} : vector<16x1024xf32> to vector<1x1024xf32>
    %add3A_38 = arith.addf %add3A_36, %slice3A_37 : vector<1x1024xf32>
    %div3A = vector.broadcast %add3A_38 : vector<1x1024xf32> to vector<16x1024xf32>
    %div3A_39 = arith.divf %exp3A, %div3A : vector<16x1024xf32>
    %swap3A = arith.constant 0 : index
    %swap3A_40 = arith.constant 0 : index
    %swap3A_41 = arith.constant 0 : index
    %swap3A_42 = vector.load %arg4[%swap3A, %swap3A_40, %swap3A_41] : memref<1x16x1024xf32, #tpu.memory_space<vmem>>, vector<1x16x1024xf32>
    %swap3A_43 = vector.shape_cast %swap3A_42 : vector<1x16x1024xf32> to vector<16x1024xf32>
    %swap3A_44 = vector.shape_cast %div3A_39 : vector<16x1024xf32> to vector<1x16x1024xf32>
    tpu.vector_store %arg4[%swap3A, %swap3A_40, %swap3A_41], %swap3A_44 {strides = array<i32>} : memref<1x16x1024xf32, #tpu.memory_space<vmem>>, vector<1x16x1024xf32>,
    return
  }
  func.func @transform_0(%arg0: i32, %arg1: i32) -> (i32, i32, i32) {
    %c0_i32 = arith.constant 0 : i32
    %c0_i32_0 = arith.constant 0 : i32
    return %arg0, %arg1, %c0_i32 : i32, i32, i32
  }
  func.func @transform_1(%arg0: i32, %arg1: i32) -> (i32, i32) {
    %c0_i32 = arith.constant 0 : i32
    %c0_i32_0 = arith.constant 0 : i32
    %c0_i32_1 = arith.constant 0 : i32
    return %c0_i32, %c0_i32_0 : i32, i32
  }
  func.func @transform_2(%arg0: i32, %arg1: i32) -> (i32, i32, i32) {
    %c0_i32 = arith.constant 0 : i32
    %c0_i32_0 = arith.constant 0 : i32
    return %arg0, %c0_i32, %arg1 : i32, i32, i32
  }
}

</mosaic_0001>

<sc_bundles>
// kernel: kernel.4.cloned.1.call-start
scs
__scs_entry_jumppad:
0x0: {  	(pc) =	sbr.rel $0x88, $3  }
0x1: {  	(tag) =	ssettag $0x0;
	lr =	simm.s32 $0x1  }
0x2: {  	[smem:$0x3F9F] =	sst lr;
	_ =	strace $0xD0000000  }
0x3: {  	_ = 	snop  }
0x4: {  	_ = 	snop  }
0x5: {  	_ = 	snop  }
0x6: {  	_ = 	snop  }
0x7: {  	_ = 	snop  }
__scs_overlays_trampoline_lowered:
0x8: {  	[smem:$0x3FAE] =	sst s0  }
0x9: {  	[smem:$0x3FAF] =	sst s1  }
0xa: {  	[smem:$0x3FB0] =	sst s2  }
0xb: {  	[smem:$0x3FB1] =	sst s3  }
0xc: {  	[smem:$0x3FB2] =	sst s4  }
0xd: {  	[smem:$0x3FB3] =	sst s5  }
0xe: {  	[smem:$0x3FB4] =	sst s6  }
0xf: {  	[smem:$0x3FB5] =	sst s7  }
0x10: {  	[smem:$0x3FB6] =	sst s8  }
0x11: {  	[smem:$0x3FB7] =	sst s9;
	s0 =	simm.s32 @!p0 $0x0  }
0x12: {  	s1 =	sld [smem:$0x3F9D];
	s0 =	simm.s32 @p0 $0x1  }
0x13: {  	[smem:$0x3FB8] =	sst s0;
	s0 =	simm.s32 @!p1 $0x0  }
0x14: {  	s2 =	sld [smem:$0x3F9C];
	s0 =	simm.s32 @p1 $0x1  }
0x15: {  	[smem:$0x3FB9] =	sst s0;
	s0 =	simm.s32 @!p2 $0x0  }
0x16: {  	s3 =	sld [smem:$0x3FDB];
	s0 =	simm.s32 @p2 $0x1  }
0x17: {  	s4 =	simm.s32 $0x1BF5;
	[smem:$0x3FBB] =	sst s0  }
0x18: {  	s0 =	sld [smem:$0x3F9E];
	_ =	swait.ge [sflag:s4], $0x0  }
0x19: {  	s7 =	sld [smem:$0x3F9F]  }
0x1a: {  	s8 =	sadd.s32 $0xFFFFE003, lr  }
0x1b: {  	s9 =	sadd.s32 $0xFFFFFEF7, lr;
	s5 =	simm.s32 $0xFFFFFFFF;
	p2 =	slt.u32 s8, $0xFFFFF086  }
0x1c: {  	p1 =	slt.u32 s9, $0xF7A;
	s5 =	simm.s32 @!p2 $0x0  }
0x1d: {  	s5 =	simm.s32 @p1 $0x1;
	p0 =	seq.s32 s7, s2  }
0x1e: {  	s7 =	smul.u32 @!p0 $0xF7A, s2;
	p2 =	seq.s32 @!p0 s5, $0x0  }
0x1f: {  	s9 =	smul.u32 $0xF7A, s1;
	s8 =	simm.s32 @!p0 $0x1BF5;
	p2 =	por !p2, p0  }
0x20: {  	[sflag:s8] =	ssyncset.s32 @!p0 $0xFFFFF086;
	s6 =	sadd.s32 @!p0 s3, s7;
	s7 =	simm.s32 @!p0 $0x108  }
0x21: {  	s3 =	sadd.s32 s3, s9;
	s6 =	sadd.s32 @!p0 $0x88, s6;
	s7 =	simm.s32 @p2 $0x1082  }
0x22: {  	[simem:s7], [sflag:s8] =	dma.local @!p0 [hbm:s6], $0xF7A  }
0x23: {  	s9 =	sor.u32 $0xD0000000, s2;
	s6 =	simm.s32 $0x108;
	_ =	swait.ge @!p0 [sflag:s8], $0x0  }
0x24: {  	s3 =	sadd.s32 $0x88, s3;
	s6 =	simm.s32 @!p1 $0x1082;
	[sflag:s4] =	ssyncset.s32 $0xFFFFF086  }
0x25: {  	[simem:s6], [sflag:s4] =	dma.local [hbm:s3], $0xF7A  }
0x26: {  	[smem:$0x3F9F] =	sst s1;
	(tag) =	ssettag s2;
	_ =	strace s9  }
0x27: {  	s1 =	sld [smem:$0x3FAF]  }
0x28: {  	s2 =	sld [smem:$0x3FB0]  }
0x29: {  	s4 =	sld [smem:$0x3FB2]  }
0x2a: {  	p0 =	seq.s32 s5, $0x0;
	s5 =	sld [smem:$0x3FB3]  }
0x2b: {  	s6 =	sld [smem:$0x3FB4]  }
0x2c: {  	s7 =	sld [smem:$0x3FB5]  }
0x2d: {  	s3 =	simm.s32 $0x108;
	s8 =	sld [smem:$0x3FB6]  }
0x2e: {  	s3 =	simm.s32 @!p0 $0x1082;
	s9 =	sld [smem:$0x3FB7]  }
0x2f: {  	lr =	sadd.s32 s0, s3;
	s0 =	sld [smem:$0x3FAE]  }
0x30: {  	s3 =	sld [smem:$0x3FB1]  }
0x31: {  	[smem:$0x3FBA] =	sst s10  }
0x32: {  	s10 =	sld [smem:$0x3FB8];
	_ =	sdelay $0x3  }
0x33: {  	p0 =	seq.s32 s10, $0x1;
	s10 =	sld [smem:$0x3FBA];
	_ =	sdelay $0x3  }
0x34: {  	[smem:$0x3FBA] =	sst s10  }
0x35: {  	s10 =	sld [smem:$0x3FB9];
	_ =	sdelay $0x3  }
0x36: {  	p1 =	seq.s32 s10, $0x1;
	s10 =	sld [smem:$0x3FBA];
	_ =	sdelay $0x3  }
0x37: {  	[smem:$0x3FBA] =	sst s10  }
0x38: {  	s10 =	sld [smem:$0x3FBB]  }
0x39: {  	_ = 	snop;
	(pc) =	sbr.ind lr, $3  }
0x3a: {  	_ = 	snop  }
0x3b: {  	_ = 	snop  }
0x3c: {  	p2 =	seq.s32 s10, $0x1;
	s10 =	sld [smem:$0x3FBA]  }
0x3d: {  	_ =	shalt  }
0x3e: {  	_ =	shalt  }
0x3f: {  	_ =	shalt  }
0x40: {  	_ =	shalt  }
0x41: {  	_ =	shalt  }
0x42: {  	_ =	shalt  }
0x43: {  	_ =	shalt  }
0x44: {  	_ =	shalt  }
0x45: {  	_ =	shalt  }
0x46: {  	_ =	shalt  }
0x47: {  	_ =	shalt  }
0x48: {  	_ =	shalt  }
0x49: {  	_ =	shalt  }
0x4a: {  	_ =	shalt  }
0x4b: {  	_ =	shalt  }
0x4c: {  	_ =	shalt  }
0x4d: {  	_ =	shalt  }
0x4e: {  	_ =	shalt  }
0x4f: {  	_ =	shalt  }
0x50: {  	_ =	shalt  }
0x51: {  	_ =	shalt  }
0x52: {  	_ =	shalt  }
0x53: {  	_ =	shalt  }
0x54: {  	_ =	shalt  }
0x55: {  	_ =	shalt  }
0x56: {  	_ =	shalt  }
0x57: {  	_ =	shalt  }
0x58: {  	_ =	shalt  }
0x59: {  	_ =	shalt  }
0x5a: {  	_ =	shalt  }
0x5b: {  	_ =	shalt  }
0x5c: {  	_ =	shalt  }
0x5d: {  	_ =	shalt  }
0x5e: {  	_ =	shalt  }
0x5f: {  	_ =	shalt  }
0x60: {  	_ =	shalt  }
0x61: {  	_ =	shalt  }
0x62: {  	_ =	shalt  }
0x63: {  	_ =	shalt  }
0x64: {  	_ =	shalt  }
0x65: {  	_ =	shalt  }
0x66: {  	_ =	shalt  }
0x67: {  	_ =	shalt  }
0x68: {  	_ =	shalt  }
0x69: {  	_ =	shalt  }
0x6a: {  	_ =	shalt  }
0x6b: {  	_ =	shalt  }
0x6c: {  	_ =	shalt  }
0x6d: {  	_ =	shalt  }
0x6e: {  	_ =	shalt  }
0x6f: {  	_ =	shalt  }
0x70: {  	_ =	shalt  }
0x71: {  	_ =	shalt  }
0x72: {  	_ =	shalt  }
0x73: {  	_ =	shalt  }
0x74: {  	_ =	shalt  }
0x75: {  	_ =	shalt  }
0x76: {  	_ =	shalt  }
0x77: {  	_ =	shalt  }
0x78: {  	_ =	shalt  }
0x79: {  	_ =	shalt  }
0x7a: {  	_ =	shalt  }
0x7b: {  	_ =	shalt  }
0x7c: {  	_ =	shalt  }
0x7d: {  	_ =	shalt  }
0x7e: {  	_ =	shalt  }
0x7f: {  	_ =	shalt  }
0x80: {  	_ =	shalt  }
0x81: {  	_ =	shalt  }
0x82: {  	_ =	shalt  }
0x83: {  	_ =	shalt  }
0x84: {  	_ =	shalt  }
0x85: {  	_ =	shalt  }
0x86: {  	_ =	shalt  }
0x87: {  	_ =	shalt  }
.Lfunc_end0:
.L_simem_size_0:
called_computation_lowered:
.L_overlay_start_0:
0x88: {  	s2 =	sld [smem:$0x3FD9]  }
0x89: {  	s3 =	sld [smem:$0x3FFE];
	_ =	sdelay $0x1  }
0x8a: {  	s1 =	srdreg.scid  }
0x8b: {  	s0 =	sand.u32 $0x1, s1  }
0x8c: {  	s14 =	sshll.u32 s0, $0xA;
	s2 =	sadd.s32 s3, s2  }
0x8d: {  	s2 =	sadd.s32 s2, s14  }
0x8e: {  	[smem:$0x3FC6] =	sst s2  }
0x8f: {  	_ = 	snop  }
0x90: {  	s2 =	sld [smem:$0x3FD0];
	_ =	sdelay $0x2  }
0x91: {  	s15 =	simm.s32 $0xA;
	s4 =	simm.s32 $0x10  }
0x92: {  	[smem:s4], [sflag:s15] =	dma.local [hbm:s2], $0x1  }
0x93: {  	_ =	swait.eq [sflag:s15], $0x1  }
0x94: {  	[sflag:s15] =	ssyncset.done $0x0  }
0x95: {  	s16 =	sld [smem:$0x10];
	[sflag:s15] =	ssyncadd.s32 $0xFFFFFFFF  }
0x96: {  	s17 =	sld [smem:$0x11];
	(tm) =	ssettm $0x1  }
0x97: {  	s18 =	sld [smem:$0x3FFB];
	_ =	sdelay $0x3  }
0x98: {  	_ =	strace s18  }
0x99: {  	s4 =	sld [smem:$0x3FFC];
	_ =	sdelay $0x3  }
0x9a: {  	_ =	strace s4  }
0x9b: {  	s4 =	sld [smem:$0x3FFD];
	_ =	sdelay $0x3  }
0x9c: {  	_ =	strace s4  }
0x9d: {  	_ =	strace $0x8FFFFFFF  }
0x9e: {  	s19 =	sld [smem:$0x3FDB];
	_ =	sdelay $0x1  }
0x9f: {  	s5 =	simm.s32 $_scs_section_size  }
0xa0: {  	s6 =	simm.s32 $_size__tile_overlayer_lowered;
	s7 =	simm.s32 $_tile_overlayer_lowered  }
0xa1: {  	s22 =	simm.s32 $0x1BFF;
	s21 =	sshll.u32 s7, $0x1;
	s4 =	sadd.s32 s5, s19  }
0xa2: {  	s8 =	simm.s32 $0x0;
	s20 =	sshll.u32 s6, $0x1;
	s6 =	sadd.s32 s21, s4  }
0xa3: {  	[timem:s8], [sflag:s22] =	dma.local [hbm:s6], s20  }
0xa4: {  	_ =	swait.ge [sflag:s22], s20  }
0xa5: {  	s5 =	ssub.s32 $0x0, s20;
	[sflag:s22] =	ssyncset.done $0x0  }
0xa6: {  	[sflag:s22] =	ssyncadd.s32 s5;
	_ =	sdelay $0x1  }
0xa7: {  	s23 =	simm.s32 $0x1B8B  }
0xa8: {  	_ =	swait.ge [sflag:s23], $0x1  }
0xa9: {  	[sflag:s23] =	ssyncset.done $0x0  }
0xaa: {  	s25 =	simm.s32 $0x1B8E;
	s24 =	sld [smem:$0x3FFE];
	[sflag:s23] =	ssyncadd.s32 $0xFFFFFFFF  }
0xab: {  	s26 =	simm.s32 $execute0_lowered;
	[smem:$0x3FD2] =	sst s25  }
0xac: {  	s6 =	sshll.u32 s26, $0x1;
	_ =	strace $0x80000046;
	[dreg:$0x1] =	wrdreg $0xFFFFFFFF  }
0xad: {  	s28 =	simm.s32 $_size_execute0_lowered;
	s4 =	sadd.s32 s4, s6;
	[dreg:$0x0] =	wrdreg $0x0  }
0xae: {  	s6 =	sshll.u32 s28, $0x1;
	[dreg:$0x2] =	wrdreg s4  }
0xaf: {  	[dreg:$0x3] =	wrdreg s6  }
0xb0: {  	[dreg:$0x4] =	wrdreg $0xC0  }
0xb1: {  	_ =	task [dreg:s8], $0x5FFFF  }
0xb2: {  	[dreg:$0x1] =	wrdreg $0xFFFFFFFF  }
0xb3: {  	[dreg:$0x0] =	wrdreg $0x60  }
0xb4: {  	[dreg:$0x2] =	wrdreg s24  }
0xb5: {  	[dreg:$0x3] =	wrdreg s16  }
0xb6: {  	[dreg:$0x4] =	wrdreg s17  }
0xb7: {  	[dreg:$0x5] =	wrdreg $0x9  }
0xb8: {  	_ =	task.clear_ibuf [dreg:s8], $0x6FFFF;
	_ =	strace $0x90000046  }
0xb9: {  	s29 =	simm.s32 $0x9;
	_ =	strace $0x80000048  }
0xba: {  	_ =	swait.ge [sflag:s29], $0x1  }
0xbb: {  	[sflag:s29] =	ssyncadd.s32 $0xFFFFFFFF  }
0xbc: {  	_ =	strace $0x90000048  }
0xbd: {  	_ =	sfence  }
0xbe: {  	s30 =	sld [smem:$0x0];
	_ =	sdelay $0x2  }
0xbf: {  	s31 =	sshll.u32 s1, $0xD;
	s1 =	sshrl.u32 s1, $0x2  }
0xc0: {  	s3 =	sand.u32 $0x4000, s31;
	s1 =	sadd.s32 s1, s30  }
0xc1: {  	s0 =	sor.u32 s3, s0;
	s1 =	sshll.u32 s1, $0x11  }
0xc2: {  	s0 =	sor.u32 s1, s0  }
0xc3: {  	s0 =	sadd.s32 $0x8F2B, s0  }
0xc4: {  	[sflag:s0] =	ssyncadd.remote.s32 $0x1  }
0xc5: {  	_ =	sfence.sel $0xFFFF  }
0xc6: {  	[dreg:$0x0] =	wrdreg $0xFFFFFFFF;
	(pc) =	sbr.abs _section_cstart, $3  }
0xc7: {  	[dreg:$0x1] =	wrdreg $0xFFFFFFFF  }
0xc8: {  	_ =	task.clear_ibuf [dreg:s8], $0x2FFFF;
	_ =	strace $0x9FFFFFFF  }
0xc9: {  	(tm) =	ssettm $0x7FFFFFFF  }
tec
execute0_lowered:
.L_overlay_start_1:
0x0: {  	(tag) =	ssettag $0x1  }
0x1: {  	s5 =	rddreg [dreg:$0x0]  }
0x2: {  	s1 =	rddreg [dreg:$0x1]  }
0x3: {  	s2 =	rddreg [dreg:$0x2];
	s4 =	srdreg.scid  }
0x4: {  	s0 =	rddreg [dreg:$0x3];
	s3 =	simm.s32 $0x0;
	s11 =	simm.s32 $0x400  }
0x5: {  	s12 =	simm.s32 $0x1;
	s13 =	simm.s32 $0x1000;
	s14 =	simm.s32 $0x3400  }
0x6: {  	s15 =	simm.s32 $0x3600;
	s16 =	simm.s32 $0x1400;
	s17 =	simm.s32 $0x2400  }
0x7: {  	s18 =	simm.s32 $0x3E00;
	s19 =	simm.s32 $0x3E80;
	s20 =	simm.s32 $0x3800  }
0x8: {  	s21 =	simm.s32 $0x3A00;
	s22 =	simm.s32 $0x3C00;
	s23 =	simm.s32 $0x0  }
0x9: {  	s6 =	sand.u32 $0x1, s4;
	[smem:$0x7FF] =	sst s3;
	s4 =	stileid.u32  }
.Ltmp0:
0xa: {  	s5 =	sadd.s32 $0xC00, s5;
	s7 =	ssub.s32 $0x2, s6;
	(pc) =	sbr.rel .LBB2_1-.Ltmp0, $4  }
0xb: {  	v0 =	vlaneseq.u32;
	_ =	strace $0x80000047;
	s31 =	sshrl.u32 s4, $0x1;
	s9 =	sshll.u32 s4, $0x9  }
0xc: {  	v3 =	vmul.u32 $0xFFFFFFFF, v0;
	s10 =	sshll.u32 s6, $0x8;
	s8 =	sshrl.u32 s7, $0x1;
	s6 =	sshll.u32 s31, $0xF  }
0xd: {  	v1 =	vimm.s32 $0x0;
	s9 =	sand.u32 $0x200, s9;
	s8 =	ssub.s32 s7, s8;
	s7 =	sshll.u32 s31, $0xC  }
0xe: {  	v2 =	vimm.s32 $0x1;
	v4 =	vimm.s32 $0xF;
	v3 =	vadd.s32 $0xF, v3;
	s9 =	sor.u32 s10, s9;
	s10 =	simm.s32 $0x80;
	s8 =	smax.u32 s8, $0x1  }
.LBB2_51:
0xf: {  	s23 =	sadd.s32 $0x1, s23  }
0x10: {  	p0 =	sne.s32 s23, s8  }
.Ltmp1:
0x11: {  	_ = 	snop;
	(pc) =	sbr.rel @!p0 .LBB2_52-.Ltmp1, $1  }
0x12: {  	_ =	sdelay $0x3  }
.LBB2_1:
0x13: {  	s24 =	simm.s32 $0x1020  }
0x14: {  	[tilespmem:s24+$0xFFFFFFE0] =	vst v1  }
0x15: {  	[tilespmem:s24+$0x10] =	vst v1  }
0x16: {  	s25 =	simm.s32 $0x0;
	p1 =	por $0x1, $0x1;
	[tilespmem:s24+$0x0] =	vst v1  }
.LBB2_2:
0x17: {  	s25 =	sadd.s32 $0x4, s25  }
0x18: {  	[tilespmem:s24+$0xFFFFFFF0] =	vst v1;
	s24 =	sadd.s32 $0x40, s24;
	p0 =	slt.u32 s25, $0x3C  }
.Ltmp2:
0x19: {  	[tilespmem:s24+$0xFFFFFFE0] =	vst v1;
	(pc) =	sbr.rel @p0 .LBB2_2-.Ltmp2, $3  }
0x1a: {  	_ =	sdelay $0x1  }
0x1b: {  	[tilespmem:s24+$0x10] =	vst v1  }
0x1c: {  	[tilespmem:s24+$0x0] =	vst v1  }
0x1d: {  	[tilespmem:s24+$0xFFFFFFF0] =	vst v1;
	s24 =	simm.s32 $0x0  }
.LBB2_4:
0x1e: {  	s24 =	sor.u32 s9, s24  }
0x1f: {  	s25 =	sor.u32 s6, s24  }
0x20: {  	s25 =	sshrl.u32 s25, $0x3  }
0x21: {  	s25 =	sadd.s32 s5, s25  }
0x22: {  	[tilespmem:s3], [sflag:$0x1] =	stream.strided.gather [hbm4b:s25+s10], $0x1000, s11, s10, $0x38;
	[tilespmem:$0x3F00] =	vst v63  }
0x23: {  	_ =	swait.ge [sflag:s12], $0x1000  }
0x24: {  	[sflag:s12] =	ssyncset.done $0x0  }
0x25: {  	s31 =	simm.s32 $0x20;
	[sflag:s12] =	ssyncadd.s32 $0xFFFFF000  }
0x26: {  	v5 =	vld [tilespmem:s31+$0x10];
	_ =	sdelay $0x1  }
0x27: {  	v6 =	vld [tilespmem:s31+$0xFFFFFFF0]  }
0x28: {  	v7 =	vld [tilespmem:s31+$0x0]  }
0x29: {  	v9 =	vld [tilespmem:s31+$0xFFFFFFE0]  }
0x2a: {  	v8 =	vshra.s32 v5, $0x14;
	_ =	sdelay $0x1  }
0x2b: {  	p0 =	por p1, p1;
	s26 =	simm.s32 $0x0;
	s29 =	simm.s32 $0x60;
	v6 =	vshra.s32 v6, $0x14  }
.LBB2_5:
0x2c: {  	v10 =	vld [tilespmem:s29+$0x10];
	s26 =	sadd.s32 $0x4, s26;
	v11 =	vshra.s32 v7, $0x14  }
0x2d: {  	v12 =	vld [tilespmem:s29+$0xFFFFFFF0];
	p1 =	slt.u32 s26, $0xFC;
	v13 =	vshra.s32 v9, $0x14  }
0x2e: {  	v5 =	vimm.s32 $0xFFFFFFFF;
	s28 =	simm.s32 $0x3F0;
	s25 =	simm.s32 $0x13F0;
	[tilespmem:v8+s13+$0x0] =	vst.idx.add.s32.msk $0xffff, v2  }
.Ltmp3:
0x2f: {  	v7 =	vld [tilespmem:s29+$0x0];
	(pc) =	sbr.rel @p1 .LBB2_5-.Ltmp3, $4  }
0x30: {  	v9 =	vld [tilespmem:s29+$0xFFFFFFE0]  }
0x31: {  	v8 =	vshra.s32 v10, $0x14;
	[tilespmem:v6+s13+$0x0] =	vst.idx.add.s32.msk $0xffff, v2  }
0x32: {  	v6 =	vshra.s32 v12, $0x14;
	[tilespmem:v13+s13+$0x0] =	vst.idx.add.s32.msk $0xffff, v2  }
0x33: {  	s29 =	sadd.s32 $0x40, s29;
	[tilespmem:v11+s13+$0x0] =	vst.idx.add.s32.msk $0xffff, v2  }
0x34: {  	_ = 	snop  }
0x35: {  	v7 =	vshra.s32 v7, $0x14  }
0x36: {  	v9 =	vshra.s32 v9, $0x14;
	_ =	sdelay $0x1  }
0x37: {  	[tilespmem:v8+s13+$0x0] =	vst.idx.add.s32.msk $0xffff, v2  }
0x38: {  	[tilespmem:v6+s13+$0x0] =	vst.idx.add.s32.msk $0xffff, v2  }
0x39: {  	[tilespmem:v7+s13+$0x0] =	vst.idx.add.s32.msk $0xffff, v2  }
0x3a: {  	[tilespmem:v9+s13+$0x0] =	vst.idx.add.s32.msk $0xffff, v2  }
0x3b: {  	v6 =	vld [tilespmem:s25+$0x0];
	_ =	sdelay $0x4  }
0x3c: {  	v6 =	vperm.xlane v6, v3  }
0x3d: {  	s29 =	simm.s32 $0x13E0  }
0x3e: {  	(xrf0) =	vadd.scan.msk.s32 $0xffff, v6;
	v6 =	vld [tilespmem:s29+$0x0];
	_ =	sdelay $0x4  }
0x3f: {  	s30 =	simm.s32 $0x13D0;
	v9 =	vperm.xlane v6, v3  }
0x40: {  	v8 =	vld [tilespmem:s30+$0x0]  }
0x41: {  	v7, _, _ =	vpop (xrf0);
	(xrf0) =	vadd.scan.msk.s32 $0xffff, v9  }
0x42: {  	v10 =	vperm.xlane v7, v3  }
0x43: {  	[tilespmem:s25+$0x0] =	vst v1;
	v6 =	vimm.s32 $0x0  }
0x44: {  	s26 =	simm.s32 $0x3E0;
	[tilespmem:s30+$0x0] =	vst v1;
	v9 =	vadd.s32 v6, v10  }
0x45: {  	s25 =	simm.s32 $0x3D0;
	s30 =	simm.s32 $0x13C0;
	v8 =	vperm.xlane v8, v3;
	[tilespmem:s29+$0x0] =	vst v1;
	s29 =	simm.s32 $0x3C0;
	vm0 =	vgt.s32 v9, $0x1FF;
	v9 =	vor.u32 s28, v0  }
.LBB2_7:
0x46: {  	v10 =	vld [tilespmem:s30+$0x0];
	[tilespmem:s30+$0x0] =	vst v1;
	p1 =	sne.s32 s29, $0x0;
	v9 =	vnsel vm0, $0xFFFFFFFF, v9;
	s28 =	smov.u32 s29;
	s29 =	sadd.s32 $0xFFFFFFF0, s29  }
.Ltmp4:
0x47: {  	(xrf0) =	vadd.scan.msk.s32 $0xffff, v8;
	vm0 =	vgt.s32 v5, v9;
	v8 =	vperm.xlane v7, v4;
	v7, _, _ =	vpop (xrf0);
	(pc) =	sbr.rel @p1 .LBB2_7-.Ltmp4, $4  }
0x48: {  	v11 =	vperm.xlane v7, v3;
	v5 =	vsel vm0, v5, v9  }
0x49: {  	v6 =	vadd.s32 v6, v8  }
0x4a: {  	v9 =	vadd.s32 v6, v11  }
0x4b: {  	s30 =	sadd.s32 $0xFFFFFFF0, s30;
	v8 =	vperm.xlane v10, v3;
	vm0 =	vgt.s32 v9, $0x1FF;
	v9 =	vor.u32 s26, v0;
	s26 =	smov.u32 s25;
	s25 =	smov.u32 s28  }
0x4c: {  	_ = 	snop  }
0x4d: {  	(xrf0) =	vadd.scan.msk.s32 $0xffff, v8;
	_ =	sdelay $0x1  }
0x4e: {  	v7 =	vperm.xlane v7, v4;
	_ =	sdelay $0x1  }
0x4f: {  	v8, _, _ =	vpop (xrf0)  }
0x50: {  	v10 =	vperm.xlane v8, v3  }
0x51: {  	v9 =	vnsel vm0, $0xFFFFFFFF, v9;
	v6 =	vadd.s32 v6, v7;
	v8 =	vperm.xlane v8, v4;
	v7, _, _ =	vpop (xrf0)  }
0x52: {  	vm0 =	vgt.s32 v5, v9;
	v10 =	vadd.s32 v6, v10;
	v7 =	vperm.xlane v7, v3  }
0x53: {  	v6 =	vadd.s32 v6, v8;
	vm1 =	vgt.s32 v10, $0x1FF;
	v10 =	vor.u32 s26, v0  }
0x54: {  	v5 =	vsel vm0, v5, v9;
	v8 =	vnsel vm1, $0xFFFFFFFF, v10;
	v6 =	vadd.s32 v6, v7  }
0x55: {  	vm0 =	vgt.s32 v5, v8;
	vm1 =	vgt.s32 v6, $0x1FF;
	v6 =	vor.u32 s25, v0  }
0x56: {  	v5 =	vsel vm0, v5, v8;
	v6 =	vnsel vm1, $0xFFFFFFFF, v6  }
0x57: {  	vm0 =	vgt.s32 v5, v6  }
0x58: {  	v5 =	vsel vm0, v5, v6  }
0x59: {  	v5 =	vxor.u32 $0x80000000, v5  }
0x5a: {  	(xrf0) =	vmax.scan.msk.u32 $0xffff, v5;
	_ =	sdelay $0x5  }
0x5b: {  	v5, _, _ =	vpop (xrf0)  }
0x5c: {  	(v2sf) =	vpush v5, $0xF;
	_ =	sdelay $0xa  }
0x5d: {  	s31 =	simm.s32 $0x10  }
0x5e: {  	v5 =	vld [tilespmem:s31+$0x0]  }
0x5f: {  	v18 =	vld [tilespmem:s31+$0xFFFFFFF0];
	_ =	sdelay $0x1  }
0x60: {  	s30 =	spop (v2sf)  }
0x61: {  	s26 =	sxor.u32 $0x80000000, s30  }
0x62: {  	v6 =	vshra.s32 v5, $0x14;
	v8 =	vmov s26  }
0x63: {  	v7 =	vshra.s32 v18, $0x14;
	vm2 =	vgt.s32 v6, v8  }
0x64: {  	vm1 =	vgt.s32 v7, v8;
	v9 =	vsel vm2, $0x1, v1  }
0x65: {  	vm0 =	veq.s32 v6, v8;
	v6 =	vsel vm1, $0x1, v1;
	(xrf0) =	vadd.scan.msk.s32 $0xffff, v9  }
0x66: {  	v9 =	vsel vm0, $0x1, v1;
	(xrf0) =	vadd.scan.msk.s32 $0xffff, v6  }
0x67: {  	(xrf0) =	vadd.scan.msk.s32 $0xffff, v9;
	v9 =	vmpcnt.ones.xlane vm1  }
0x68: {  	v11 =	vimm.s32 $0x0;
	vm3 =	veq.s32 v7, v8  }
0x69: {  	v10 =	vor.u32 s31, v0;
	s31 =	simm.s32 $0x0;
	v16 =	vshrl.u32 v5, $0xA;
	v6 =	vsel vm3, $0x1, v1  }
0x6a: {  	v17 =	vshrl.u32 v18, $0xA;
	v24 =	vor.u32 s31, v0;
	v16 =	vand.u32 $0x3FF, v16;
	(xrf0) =	vadd.scan.msk.s32 $0xffff, v6  }
0x6b: {  	s25 =	simm.s32 $0x30;
	v12 =	vmpcnt.ones.xlane vm3;
	vm5 =	vmmov vm1;
	v15 =	vadd.s32 v11, v9;
	v9, _, _ =	vpop (xrf0)  }
0x6c: {  	v7 =	vld [tilespmem:s25+$0x0];
	v13 =	vmpcnt.ones.xlane vm2;
	vm2 =	vmmov vm2;
	v19 =	vmpcnt.ones.xlane vm0;
	v20, _, _ =	vpop (xrf0)  }
0x6d: {  	v12 =	vadd.s32 v11, v12;
	v14 =	vadd.s32 v9, v15;
	v9 =	vld [tilespmem:s25+$0xFFFFFFF0];
	v20 =	vadd.s32 v20, v11  }
0x6e: {  	vm1 =	vmmov vm3;
	vm3 =	vmmov vm0;
	v6 =	vor.u32 s25, v0  }
0x6f: {  	v15 =	vadd.s32 v15, v13;
	v14 =	vadd.s32 $0xFFFFFFFF, v14;
	v21, _, _ =	vpop (xrf0);
	v22 =	vadd.s32 $0xFFFFFFFF, v20  }
0x70: {  	v13 =	vadd.s32 v21, v12;
	v12 =	vadd.s32 v12, v19;
	v21 =	vand.u32 $0x3FF, v17;
	v20, _, _ =	vpop (xrf0)  }
0x71: {  	v13 =	vadd.s32 $0xFFFFFFFF, v13;
	v19 =	vadd.s32 v20, v11;
	v11 =	vshrl.u32 v7, $0xA  }
0x72: {  	v17 =	vshra.s32 v9, $0x14;
	v20 =	vadd.s32 $0xFFFFFFFF, v19;
	v19 =	vshra.s32 v7, $0x14  }
0x73: {  	vm6 =	vgt.s32 v17, v8;
	vm7 =	veq.s32 v17, v8;
	vm4 =	vgt.s32 v19, v8  }
0x74: {  	[tilespmem:v14+s14+$0x0] =	vst.idx.msk vm2, v5;
	v17 =	vshrl.u32 v9, $0xA;
	vm0 =	veq.s32 v19, v8;
	v19 =	vsel vm4, $0x1, v1  }
0x75: {  	[tilespmem:v22+s14+$0x0] =	vst.idx.msk vm5, v18;
	v25 =	vsel vm6, $0x1, v1;
	v23 =	vmpcnt.ones.xlane vm6;
	(xrf0) =	vadd.scan.msk.s32 $0xffff, v19  }
0x76: {  	v26 =	vsel vm0, $0x1, v1;
	[tilespmem:v22+s15+$0x0] =	vst.idx.msk vm5, v24;
	v22 =	vmpcnt.ones.xlane vm7;
	(xrf0) =	vadd.scan.msk.s32 $0xffff, v25  }
0x77: {  	s28 =	simm.s32 $0x2;
	s29 =	simm.s32 $0x50;
	s26 =	simm.s32 $0x30;
	v25 =	vsel vm7, $0x1, v1;
	(xrf0) =	vadd.scan.msk.s32 $0xffff, v26;
	[tilespmem:v20+s16+$0x0] =	vst.idx.msk vm1, v18;
	v19 =	vmovc v15;
	v18 =	vmov v12  }
.LBB2_9:
0x78: {  	v26 =	vor.u32 s29, v0;
	s28 =	sadd.s32 $0x2, s28;
	(xrf0) =	vadd.scan.msk.s32 $0xffff, v25;
	[tilespmem:v20+s17+$0x0] =	vst.idx.msk vm1, v24;
	vm5 =	vmmov vm6  }
0x79: {  	p1 =	slt.u32 s28, $0xFE;
	[tilespmem:v21+s13+$0x0] =	vst.idx.add.s32.msk vm1, v2;
	vm1 =	vmmov vm7  }
0x7a: {  	v20 =	vmpcnt.ones.xlane vm4;
	s25 =	sadd.s32 $0x20, s25;
	[tilespmem:v14+s15+$0x0] =	vst.idx.msk vm2, v10;
	vm2 =	vmmov vm4  }
0x7b: {  	v23 =	vadd.s32 v15, v23;
	v15, _, _ =	vpop (xrf0);
	[tilespmem:v13+s16+$0x0] =	vst.idx.msk vm3, v5;
	v5 =	vmov v7;
	v7 =	vld [tilespmem:s25+$0x0]  }
0x7c: {  	v27 =	vld [tilespmem:s25+$0xFFFFFFF0];
	v21 =	vadd.s32 v15, v23;
	v15 =	vadd.s32 v23, v20;
	v20 =	vmpcnt.ones.xlane vm0;
	v14, _, _ =	vpop (xrf0);
	[tilespmem:v13+s17+$0x0] =	vst.idx.msk vm3, v10  }
0x7d: {  	v12 =	vadd.s32 v12, v22;
	v23 =	vadd.s32 v14, v19;
	v14 =	vadd.s32 $0xFFFFFFFF, v21;
	v13, _, _ =	vpop (xrf0);
	[tilespmem:v16+s13+$0x0] =	vst.idx.add.s32.msk vm3, v2  }
0x7e: {  	v22 =	vadd.s32 $0xFFFFFFFF, v23;
	v21 =	vadd.s32 v13, v12;
	v12 =	vadd.s32 v12, v20;
	v13, _, _ =	vpop (xrf0)  }
0x7f: {  	v10 =	vmovc v6;
	v6 =	vmovc v26;
	v19 =	vmov v15;
	v16 =	vadd.s32 v13, v18;
	v13 =	vadd.s32 $0xFFFFFFFF, v21  }
0x80: {  	vm3 =	vmmov vm0;
	v18 =	vmovc v12;
	v23 =	vshrl.u32 v7, $0xA;
	v20 =	vadd.s32 $0xFFFFFFFF, v16  }
0x81: {  	v21 =	vand.u32 $0x3FF, v17;
	v24 =	vshra.s32 v7, $0x14;
	v16 =	vand.u32 $0x3FF, v11;
	v11 =	vmovc v23  }
.Ltmp5:
0x82: {  	s30 =	sadd.s32 $0xFFFFFFF0, s26;
	s26 =	smov.u32 s29;
	v17 =	vshra.s32 v27, $0x14;
	vm4 =	vgt.s32 v24, v8;
	vm0 =	veq.s32 v24, v8;
	[tilespmem:v14+s14+$0x0] =	vst.idx.msk vm2, v5;
	(pc) =	sbr.rel @p1 .LBB2_9-.Ltmp5, $4  }
0x83: {  	vm6 =	vgt.s32 v17, v8;
	v24 =	vsel vm4, $0x1, v1;
	v26 =	vsel vm0, $0x1, v1;
	[tilespmem:v22+s14+$0x0] =	vst.idx.msk vm5, v9  }
0x84: {  	v25 =	vsel vm6, $0x1, v1;
	v23 =	vmpcnt.ones.xlane vm6;
	(xrf0) =	vadd.scan.msk.s32 $0xffff, v24;
	v24 =	vor.u32 s30, v0  }
0x85: {  	vm7 =	veq.s32 v17, v8;
	v17 =	vshrl.u32 v27, $0xA;
	(xrf0) =	vadd.scan.msk.s32 $0xffff, v25;
	[tilespmem:v22+s15+$0x0] =	vst.idx.msk vm5, v24  }
0x86: {  	s29 =	sadd.s32 $0x20, s29;
	v25 =	vsel vm7, $0x1, v1;
	v22 =	vmpcnt.ones.xlane vm7;
	(xrf0) =	vadd.scan.msk.s32 $0xffff, v26;
	[tilespmem:v20+s16+$0x0] =	vst.idx.msk vm1, v9;
	v9 =	vmovc v27  }
0x87: {  	_ =	sdelay $0x1  }
0x88: {  	(xrf0) =	vadd.scan.msk.s32 $0xffff, v25;
	_ =	sdelay $0x1  }
0x89: {  	v8 =	vadd.s32 v15, v23;
	v15, _, _ =	vpop (xrf0)  }
0x8a: {  	[tilespmem:v20+s17+$0x0] =	vst.idx.msk vm1, v24;
	v15 =	vadd.s32 v15, v8;
	v60, _, _ =	vpop (xrf0)  }
0x8b: {  	[tilespmem:v14+s15+$0x0] =	vst.idx.msk vm2, v10;
	v19 =	vadd.s32 v60, v19;
	v15 =	vadd.s32 $0xFFFFFFFF, v15  }
0x8c: {  	[tilespmem:v21+s13+$0x0] =	vst.idx.add.s32.msk vm1, v2;
	v61, _, _ =	vpop (xrf0);
	v14 =	vadd.s32 $0xFFFFFFFF, v19  }
0x8d: {  	[tilespmem:v13+s16+$0x0] =	vst.idx.msk vm3, v5;
	v62, _, _ =	vpop (xrf0)  }
0x8e: {  	[tilespmem:v13+s17+$0x0] =	vst.idx.msk vm3, v10;
	v10 =	vadd.s32 v12, v22;
	v5 =	vadd.s32 v62, v18  }
0x8f: {  	[tilespmem:v16+s13+$0x0] =	vst.idx.add.s32.msk vm3, v2;
	v13 =	vadd.s32 v61, v10;
	v5 =	vadd.s32 $0xFFFFFFFF, v5  }
0x90: {  	v13 =	vadd.s32 $0xFFFFFFFF, v13;
	[tilespmem:v15+s14+$0x0] =	vst.idx.msk vm4, v7  }
0x91: {  	s25 =	sadd.s32 $0xFFFFFFF0, s26;
	[tilespmem:v14+s14+$0x0] =	vst.idx.msk vm6, v9  }
0x92: {  	v63 =	vor.u32 s25, v0;
	[tilespmem:v15+s15+$0x0] =	vst.idx.msk vm4, v6  }
0x93: {  	v12 =	vand.u32 $0x3FF, v17;
	[tilespmem:v14+s15+$0x0] =	vst.idx.msk vm6, v63  }
0x94: {  	[tilespmem:v5+s16+$0x0] =	vst.idx.msk vm7, v9;
	v9 =	vand.u32 $0x3FF, v11  }
0x95: {  	[tilespmem:v13+s16+$0x0] =	vst.idx.msk vm0, v7  }
0x96: {  	[tilespmem:v13+s17+$0x0] =	vst.idx.msk vm0, v6  }
0x97: {  	[tilespmem:v5+s17+$0x0] =	vst.idx.msk vm7, v63  }
0x98: {  	[tilespmem:v12+s13+$0x0] =	vst.idx.add.s32.msk vm7, v2  }
0x99: {  	s30 =	simm.s32 $0x13F0;
	[tilespmem:v9+s13+$0x0] =	vst.idx.add.s32.msk vm0, v2  }
0x9a: {  	v5 =	vld [tilespmem:s30+$0x0];
	_ =	sdelay $0x4  }
0x9b: {  	v5 =	vperm.xlane v5, v3  }
0x9c: {  	s31 =	simm.s32 $0x13E0  }
0x9d: {  	(xrf0) =	vadd.scan.msk.s32 $0xffff, v5;
	v5 =	vld [tilespmem:s31+$0x0];
	_ =	sdelay $0x3  }
0x9e: {  	s28 =	simm.s32 $0x13D0  }
0x9f: {  	v11 =	vld [tilespmem:s28+$0x0];
	v13 =	vperm.xlane v5, v3  }
0xa0: {  	vm5 =	vmmov vm4  }
0xa1: {  	vm2 =	vmmov vm7;
	v6 =	vmpcnt.ones.xlane vm4;
	v9 =	vmpcnt.ones.xlane vm0;
	v7, _, _ =	vpop (xrf0);
	(xrf0) =	vadd.scan.msk.s32 $0xffff, v13  }
0xa2: {  	vm1 =	vmmov vm6;
	vm3 =	vmmov vm0;
	v12 =	vperm.xlane v7, v3  }
0xa3: {  	v6 =	vadd.s32 v8, v6;
	[tilespmem:s30+$0x0] =	vst v1;
	v8 =	vadd.s32 v10, v9;
	v10 =	vimm.s32 $0x0  }
0xa4: {  	s26 =	simm.s32 $0x3E0;
	s30 =	simm.s32 $0x3F0;
	[tilespmem:s28+$0x0] =	vst v1;
	v9 =	vsub.s32 $0x200, v6;
	v11 =	vperm.xlane v11, v3;
	v12 =	vadd.s32 v10, v12  }
0xa5: {  	s29 =	simm.s32 $0x13C0;
	s25 =	simm.s32 $0x3D0;
	s28 =	simm.s32 $0x3C0;
	[tilespmem:s31+$0x0] =	vst v1;
	v5 =	vimm.s32 $0xFFFFFFFF;
	vm0 =	vlt.s32 v12, v9;
	v12 =	vor.u32 s30, v0  }
.LBB2_11:
0xa6: {  	v13 =	vld [tilespmem:s29+$0x0];
	[tilespmem:s29+$0x0] =	vst v1;
	p1 =	sne.s32 s28, $0x0;
	v12 =	vsel vm0, $0xFFFFFFFF, v12;
	s30 =	smov.u32 s28;
	s28 =	sadd.s32 $0xFFFFFFF0, s28  }
.Ltmp6:
0xa7: {  	(xrf0) =	vadd.scan.msk.s32 $0xffff, v11;
	vm0 =	vgt.s32 v5, v12;
	v11 =	vperm.xlane v7, v4;
	v7, _, _ =	vpop (xrf0);
	(pc) =	sbr.rel @p1 .LBB2_11-.Ltmp6, $4  }
0xa8: {  	v14 =	vperm.xlane v7, v3;
	v5 =	vsel vm0, v5, v12  }
0xa9: {  	v10 =	vadd.s32 v10, v11  }
0xaa: {  	v12 =	vadd.s32 v10, v14  }
0xab: {  	s29 =	sadd.s32 $0xFFFFFFF0, s29;
	v11 =	vperm.xlane v13, v3;
	vm0 =	vlt.s32 v12, v9;
	v12 =	vor.u32 s26, v0;
	s26 =	smov.u32 s25;
	s25 =	smov.u32 s30  }
0xac: {  	_ = 	snop  }
0xad: {  	(xrf0) =	vadd.scan.msk.s32 $0xffff, v11;
	_ =	sdelay $0x3  }
0xae: {  	v7 =	vperm.xlane v7, v4;
	v11, _, _ =	vpop (xrf0)  }
0xaf: {  	v13 =	vperm.xlane v11, v3  }
0xb0: {  	v12 =	vsel vm0, $0xFFFFFFFF, v12;
	v7 =	vadd.s32 v10, v7;
	v11 =	vperm.xlane v11, v4;
	v10, _, _ =	vpop (xrf0)  }
0xb1: {  	vm0 =	vgt.s32 v5, v12;
	v13 =	vadd.s32 v7, v13;
	v10 =	vperm.xlane v10, v3  }
0xb2: {  	v7 =	vadd.s32 v7, v11;
	v11 =	vor.u32 s26, v0;
	vm1 =	vlt.s32 v13, v9  }
0xb3: {  	v5 =	vsel vm0, v5, v12;
	v11 =	vsel vm1, $0xFFFFFFFF, v11;
	v7 =	vadd.s32 v7, v10  }
0xb4: {  	vm0 =	vgt.s32 v5, v11;
	vm15 =	vlt.s32 v7, v9;
	v7 =	vor.u32 s25, v0  }
0xb5: {  	v5 =	vsel vm0, v5, v11;
	v7 =	vsel vm15, $0xFFFFFFFF, v7  }
0xb6: {  	vm0 =	vgt.s32 v5, v7  }
0xb7: {  	v5 =	vsel vm0, v5, v7  }
0xb8: {  	v5 =	vxor.u32 $0x80000000, v5  }
0xb9: {  	(xrf0) =	vmax.scan.msk.u32 $0xffff, v5;
	v5 =	vxor.u32 $0x80000000, v8  }
0xba: {  	(xrf0) =	vmax.scan.msk.u32 $0xffff, v5;
	_ =	sdelay $0x4  }
0xbb: {  	v5, _, _ =	vpop (xrf0)  }
0xbc: {  	(v2sf) =	vpush v5, $0xF;
	v5, _, _ =	vpop (xrf0)  }
0xbd: {  	(v2sf) =	vpush v5, $0xF;
	_ =	sdelay $0xd  }
0xbe: {  	s26 =	spop (v2sf)  }
0xbf: {  	s31 =	spop (v2sf)  }
0xc0: {  	s25 =	sadd.s32 $0x8000000F, s31  }
0xc1: {  	s29 =	sshra.s32 s25, $0x4  }
0xc2: {  	p1 =	slt.s32 s29, $0x1  }
.Ltmp7:
0xc3: {  	_ = 	snop;
	(pc) =	sbr.rel @p1 .LBB2_13-.Ltmp7, $2  }
0xc4: {  	_ =	sdelay $0x2  }
0xc5: {  	v7 =	vimm.s32 $0x0  }
0xc6: {  	s25 =	simm.s32 $0x1400  }
0xc7: {  	v10 =	vld [tilespmem:s25+$0x0];
	_ =	sdelay $0x4  }
0xc8: {  	s28 =	sxor.u32 $0x80000000, s26;
	s26 =	simm.s32 $0x0;
	v5 =	vshrl.u32 v10, $0xA  }
0xc9: {  	v9 =	vmov s28;
	v11 =	vor.u32 s26, v0;
	v5 =	vand.u32 $0x3FF, v5  }
0xca: {  	vm0 =	vlt.s32 v11, v8;
	vm1 =	vgt.s32 v5, v9  }
0xcb: {  	vm1 =	vmand vm0, vm1  }
0xcc: {  	vm2 =	veq.s32 v5, v9;
	v5 =	vsel vm1, $0x1, v1  }
0xcd: {  	vm0 =	vmand vm0, vm2;
	(xrf0) =	vadd.scan.msk.s32 $0xffff, v5  }
0xce: {  	v5 =	vsel vm0, $0x1, v1  }
0xcf: {  	(xrf0) =	vadd.scan.msk.s32 $0xffff, v5;
	_ =	sdelay $0x3  }
0xd0: {  	v5, _, _ =	vpop (xrf0)  }
0xd1: {  	v5 =	vadd.s32 v5, v6  }
0xd2: {  	s28 =	simm.s32 $0x2400;
	v11, _, _ =	vpop (xrf0);
	v5 =	vadd.s32 $0xFFFFFFFF, v5  }
0xd3: {  	v12 =	vld [tilespmem:s28+$0x0];
	v11 =	vadd.s32 v11, v7  }
0xd4: {  	v11 =	vadd.s32 $0xFFFFFFFF, v11;
	_ =	sdelay $0x2  }
0xd5: {  	[tilespmem:v5+s14+$0x0] =	vst.idx.msk vm1, v10  }
0xd6: {  	p1 =	sne.s32 s29, $0x1;
	[tilespmem:v5+s15+$0x0] =	vst.idx.msk vm1, v12  }
.Ltmp8:
0xd7: {  	[tilespmem:v11+s16+$0x0] =	vst.idx.msk vm0, v10;
	v10 =	vand.u32 $0x3FF, v10;
	(pc) =	sbr.rel @!p1 .LBB2_16-.Ltmp8, $3  }
0xd8: {  	_ = 	snop  }
0xd9: {  	v13 =	vmpcnt.ones.xlane vm1;
	v14 =	vmpcnt.ones.xlane vm0;
	_ =	sdelay $0x1  }
0xda: {  	s29 =	sadd.s32 $0xFFFFFFFF, s29;
	v6 =	vadd.s32 v6, v13;
	v5 =	vadd.s32 v7, v14;
	[tilespmem:v11+s17+$0x0] =	vst.idx.msk vm0, v12  }
.LBB2_15:
0xdb: {  	[tilespmem:v10+s13+$0x0] =	vst.idx.add.s32.msk vm0, v2;
	s25 =	sadd.s32 $0x10, s25;
	s28 =	sadd.s32 $0x10, s28;
	s26 =	sadd.s32 $0x10, s26;
	v10 =	vmov v6;
	v11 =	vmov v5  }
0xdc: {  	p1 =	sne.s32 s29, $0x1;
	s29 =	sadd.s32 $0xFFFFFFFF, s29;
	v12 =	vld [tilespmem:s25+$0x0];
	_ =	sdelay $0x4  }
0xdd: {  	v13 =	vshrl.u32 v12, $0xA  }
0xde: {  	v14 =	vor.u32 s26, v0;
	v13 =	vand.u32 $0x3FF, v13  }
0xdf: {  	vm0 =	vlt.s32 v14, v8;
	vm1 =	vgt.s32 v13, v9;
	vm2 =	veq.s32 v13, v9  }
0xe0: {  	vm1 =	vmand vm0, vm1  }
0xe1: {  	v13 =	vsel vm1, $0x1, v1;
	v14 =	vmpcnt.ones.xlane vm1  }
0xe2: {  	vm0 =	vmand vm0, vm2;
	(xrf0) =	vadd.scan.msk.s32 $0xffff, v13  }
0xe3: {  	v13 =	vsel vm0, $0x1, v1;
	v6 =	vadd.s32 v6, v14;
	v14 =	vmpcnt.ones.xlane vm0  }
0xe4: {  	(xrf0) =	vadd.scan.msk.s32 $0xffff, v13  }
0xe5: {  	v5 =	vadd.s32 v5, v14;
	_ =	sdelay $0x2  }
0xe6: {  	v13, _, _ =	vpop (xrf0)  }
0xe7: {  	v14 =	vadd.s32 v13, v10  }
0xe8: {  	v13 =	vadd.s32 $0xFFFFFFFF, v14;
	v10, _, _ =	vpop (xrf0)  }
0xe9: {  	v14 =	vld [tilespmem:s28+$0x0];
	v10 =	vadd.s32 v10, v11  }
0xea: {  	v11 =	vadd.s32 $0xFFFFFFFF, v10;
	_ =	sdelay $0x1  }
.Ltmp9:
0xeb: {  	v10 =	vand.u32 $0x3FF, v12;
	(pc) =	sbr.rel @p1 .LBB2_15-.Ltmp9, $4  }
0xec: {  	[tilespmem:v13+s14+$0x0] =	vst.idx.msk vm1, v12  }
0xed: {  	[tilespmem:v13+s15+$0x0] =	vst.idx.msk vm1, v14  }
0xee: {  	[tilespmem:v11+s16+$0x0] =	vst.idx.msk vm0, v12  }
0xef: {  	[tilespmem:v11+s17+$0x0] =	vst.idx.msk vm0, v14  }
.LBB2_16:
0xf0: {  	_ = 	snop  }
.Ltmp10:
0xf1: {  	_ = 	snop;
	(pc) =	sbr.rel .LBB2_17-.Ltmp10, $2  }
0xf2: {  	_ =	sdelay $0x2  }
0xf3: {  	[tilespmem:v10+s13+$0x0] =	vst.idx.add.s32.msk vm0, v2;
	v9 =	vsub.s32 $0x200, v6  }
.LBB2_13:
0xf4: {  	v5 =	vimm.s32 $0x0  }
.LBB2_17:
0xf5: {  	s25 =	simm.s32 $0x13F0  }
0xf6: {  	v8 =	vld [tilespmem:s25+$0x0];
	_ =	sdelay $0x4  }
0xf7: {  	v8 =	vperm.xlane v8, v3  }
0xf8: {  	s26 =	simm.s32 $0x13E0  }
0xf9: {  	(xrf0) =	vadd.scan.msk.s32 $0xffff, v8;
	v8 =	vld [tilespmem:s26+$0x0];
	_ =	sdelay $0x3  }
0xfa: {  	s28 =	simm.s32 $0x13D0  }
0xfb: {  	v12 =	vld [tilespmem:s28+$0x0];
	v14 =	vperm.xlane v8, v3;
	_ =	sdelay $0x1  }
0xfc: {  	v11, _, _ =	vpop (xrf0);
	(xrf0) =	vadd.scan.msk.s32 $0xffff, v14  }
0xfd: {  	v10 =	vperm.xlane v11, v3  }
0xfe: {  	[tilespmem:s25+$0x0] =	vst v1  }
0xff: {  	s30 =	simm.s32 $0x3F0;
	s29 =	simm.s32 $0x13C0;
	[tilespmem:s28+$0x0] =	vst v1;
	v13 =	vperm.xlane v12, v3;
	v12 =	vimm.s32 $0x0;
	v10 =	vadd.s32 v7, v10  }
0x100: {  	s25 =	simm.s32 $0x3D0;
	s28 =	simm.s32 $0x3C0;
	[tilespmem:s26+$0x0] =	vst v1;
	s26 =	simm.s32 $0x3E0;
	v8 =	vimm.s32 $0xFFFFFFFF;
	v14 =	vor.u32 s30, v0;
	vm0 =	vlt.s32 v10, v9  }
.LBB2_18:
0x101: {  	v15 =	vld [tilespmem:s29+$0x0];
	[tilespmem:s29+$0x0] =	vst v1;
	p1 =	sne.s32 s28, $0x0;
	v14 =	vsel vm0, $0xFFFFFFFF, v14;
	v10 =	vnsel vm0, $0xFFFFFFFF, v10;
	s30 =	smov.u32 s28;
	s28 =	sadd.s32 $0xFFFFFFF0, s28  }
.Ltmp11:
0x102: {  	(xrf0) =	vadd.scan.msk.s32 $0xffff, v13;
	vm0 =	vgt.s32 v8, v14;
	vm1 =	vgt.s32 v7, v10;
	v13 =	vperm.xlane v11, v4;
	v11, _, _ =	vpop (xrf0);
	(pc) =	sbr.rel @p1 .LBB2_18-.Ltmp11, $4  }
0x103: {  	v16 =	vperm.xlane v11, v3;
	v8 =	vsel vm0, v8, v14;
	v7 =	vsel vm1, v7, v10  }
0x104: {  	v12 =	vadd.s32 v12, v13  }
0x105: {  	v10 =	vadd.s32 v12, v16  }
0x106: {  	s29 =	sadd.s32 $0xFFFFFFF0, s29;
	v14 =	vor.u32 s26, v0;
	s26 =	smov.u32 s25;
	s25 =	smov.u32 s30;
	v13 =	vperm.xlane v15, v3;
	vm0 =	vlt.s32 v10, v9  }
0x107: {  	_ = 	snop  }
0x108: {  	(xrf0) =	vadd.scan.msk.s32 $0xffff, v13;
	_ =	sdelay $0x3  }
0x109: {  	v11 =	vperm.xlane v11, v4;
	v60, _, _ =	vpop (xrf0)  }
0x10a: {  	v15 =	vperm.xlane v60, v3  }
0x10b: {  	v14 =	vsel vm0, $0xFFFFFFFF, v14;
	v11 =	vadd.s32 v12, v11;
	v13 =	vperm.xlane v60, v4;
	v61, _, _ =	vpop (xrf0)  }
0x10c: {  	v62 =	vor.u32 s26, v0;
	v15 =	vadd.s32 v11, v15;
	v12 =	vperm.xlane v61, v3  }
0x10d: {  	vm1 =	vgt.s32 v8, v14;
	v11 =	vadd.s32 v11, v13;
	vm2 =	vlt.s32 v15, v9  }
0x10e: {  	v8 =	vsel vm1, v8, v14;
	v13 =	vsel vm2, $0xFFFFFFFF, v62;
	v11 =	vadd.s32 v11, v12  }
0x10f: {  	v63 =	vor.u32 s25, v0;
	vm1 =	vgt.s32 v8, v13;
	vm3 =	vlt.s32 v11, v9  }
0x110: {  	v8 =	vsel vm1, v8, v13;
	v9 =	vsel vm3, $0xFFFFFFFF, v63  }
0x111: {  	vm1 =	vgt.s32 v8, v9  }
0x112: {  	v8 =	vsel vm1, v8, v9  }
0x113: {  	v8 =	vxor.u32 $0x80000000, v8  }
0x114: {  	(xrf0) =	vmax.scan.msk.u32 $0xffff, v8;
	v8 =	vxor.u32 $0x80000000, v5  }
0x115: {  	(xrf0) =	vmax.scan.msk.u32 $0xffff, v8;
	_ =	sdelay $0x4  }
0x116: {  	v8, _, _ =	vpop (xrf0)  }
0x117: {  	(v2sf) =	vpush v8, $0xF;
	v8, _, _ =	vpop (xrf0)  }
0x118: {  	(v2sf) =	vpush v8, $0xF;
	_ =	sdelay $0xd  }
0x119: {  	s25 =	spop (v2sf)  }
0x11a: {  	s31 =	spop (v2sf)  }
0x11b: {  	s26 =	sadd.s32 $0x8000000F, s31  }
0x11c: {  	v8 =	vnsel vm0, $0xFFFFFFFF, v10;
	s26 =	sshra.s32 s26, $0x4  }
0x11d: {  	vm0 =	vgt.s32 v7, v8;
	p1 =	slt.s32 s26, $0x1  }
.Ltmp12:
0x11e: {  	v7 =	vsel vm0, v7, v8;
	v8 =	vnsel vm2, $0xFFFFFFFF, v15;
	(pc) =	sbr.rel @p1 .LBB2_26-.Ltmp12, $4  }
0x11f: {  	vm0 =	vgt.s32 v7, v8  }
0x120: {  	v7 =	vsel vm0, v7, v8;
	v8 =	vnsel vm3, $0xFFFFFFFF, v11  }
0x121: {  	vm0 =	vgt.s32 v7, v8  }
0x122: {  	v7 =	vsel vm0, v7, v8  }
0x123: {  	v7 =	vxor.u32 $0x80000000, v7  }
0x124: {  	(xrf0) =	vmax.scan.msk.u32 $0xffff, v7;
	_ =	sdelay $0x5  }
0x125: {  	v7, _, _ =	vpop (xrf0)  }
0x126: {  	(v2sf) =	vpush v7, $0xF;
	_ =	sdelay $0xe  }
0x127: {  	s28 =	spop (v2sf)  }
0x128: {  	s28 =	sxor.u32 $0x80000000, s28  }
0x129: {  	p1 =	sgt.s32 s28, $0x0  }
0x12a: {  	p2 =	sne.s32 s26, $0x1;
	s28 =	simm.s32 @!p1 $0x0  }
.Ltmp13:
0x12b: {  	v7 =	vmov s28;
	(pc) =	sbr.rel @!p2 .LBB2_21-.Ltmp13, $4  }
0x12c: {  	v7 =	vadd.s32 $0xFFFFFFFF, v7  }
0x12d: {  	s31 =	simm.s32 $0x1400;
	v7 =	vbroadcast v7, $0x0  }
0x12e: {  	s25 =	sxor.u32 $0x80000000, s25;
	s29 =	simm.s32 $0x2400;
	v8 =	vld [tilespmem:s31+$0x0]  }
0x12f: {  	v11 =	vimm.s32 $0x0;
	s26 =	sadd.s32 $0xFFFFFFFF, s26;
	v9 =	vmov s25;
	s25 =	simm.s32 $0x0;
	v10 =	vld [tilespmem:s29+$0x0];
	p1 =	por $0x0, $0x0;
	v7 =	vadd.s32 v6, v7  }
0x130: {  	_ =	sdelay $0x2  }
0x131: {  	v12 =	vor.u32 s25, v0;
	v13 =	vand.u32 $0x3FF, v8  }
0x132: {  	vm0 =	vlt.s32 v12, v5;
	vm1 =	vgt.s32 v13, v9  }
0x133: {  	vm2 =	veq.s32 v13, v9;
	vm1 =	vmand vm0, vm1  }
0x134: {  	vm0 =	vmand vm0, vm2;
	v12 =	vsel vm1, $0x1, v1  }
0x135: {  	v13 =	vsel vm0, $0x1, v1;
	(xrf0) =	vadd.scan.msk.s32 $0xffff, v12  }
0x136: {  	(xrf0) =	vadd.scan.msk.s32 $0xffff, v13;
	_ =	sdelay $0x4  }
0x137: {  	v12, _, _ =	vpop (xrf0)  }
0x138: {  	v13 =	vadd.s32 v11, v7;
	v14, _, _ =	vpop (xrf0)  }
0x139: {  	v12 =	vadd.s32 v12, v6;
	v13 =	vadd.s32 v14, v13  }
0x13a: {  	v12 =	vadd.s32 $0xFFFFFFFF, v12;
	vm15 =	vlt.s32 v13, $0x200  }
0x13b: {  	vm2 =	vmand vm0, vm15;
	_ =	sdelay $0x3  }
0x13c: {  	[tilespmem:v12+s14+$0x0] =	vst.idx.msk vm1, v8  }
0x13d: {  	p2 =	sne.s32 s26, $0x1;
	[tilespmem:v12+s15+$0x0] =	vst.idx.msk vm1, v10  }
.Ltmp14:
0x13e: {  	v12 =	vmpcnt.ones.xlane vm1;
	[tilespmem:v13+s14+$0x0] =	vst.idx.msk vm2, v8;
	(pc) =	sbr.rel @!p2 .LBB2_23-.Ltmp14, $4  }
0x13f: {  	s28 =	simm.s32 $0x1410;
	v14 =	vmpcnt.ones.xlane vm0;
	[tilespmem:v13+s15+$0x0] =	vst.idx.msk vm2, v10  }
0x140: {  	v8 =	vld [tilespmem:s28+$0x0]  }
0x141: {  	s29 =	simm.s32 $0x2410;
	v11 =	vadd.s32 v11, v14;
	v6 =	vadd.s32 v6, v12  }
0x142: {  	s30 =	sadd.s32 $0xFFFFFFFF, s26;
	p1 =	por $0x1, $0x1;
	s26 =	simm.s32 $0x0;
	v13 =	vmov v11;
	v10 =	vld [tilespmem:s29+$0x0];
	v12 =	vmov v6  }
.LBB2_24:
0x143: {  	p2 =	sne.s32 s30, $0x1  }
0x144: {  	s26 =	sadd.s32 $0x10, s26  }
0x145: {  	v14 =	vor.u32 s26, v0;
	v15 =	vand.u32 $0x3FF, v8  }
0x146: {  	vm1 =	vlt.s32 v14, v5;
	vm0 =	vgt.s32 v15, v9  }
0x147: {  	vm2 =	veq.s32 v15, v9;
	vm0 =	vmand vm1, vm0  }
0x148: {  	vm1 =	vmand vm1, vm2;
	v14 =	vsel vm0, $0x1, v1;
	v15 =	vmpcnt.ones.xlane vm0  }
0x149: {  	v16 =	vsel vm1, $0x1, v1;
	v17 =	vmpcnt.ones.xlane vm1;
	(xrf0) =	vadd.scan.msk.s32 $0xffff, v14  }
0x14a: {  	v12 =	vadd.s32 v12, v15;
	(xrf0) =	vadd.scan.msk.s32 $0xffff, v16  }
0x14b: {  	v13 =	vadd.s32 v13, v17;
	_ =	sdelay $0x3  }
0x14c: {  	v14, _, _ =	vpop (xrf0)  }
0x14d: {  	v15 =	vadd.s32 v11, v7;
	v11 =	vmov v13;
	v16, _, _ =	vpop (xrf0)  }
0x14e: {  	v14 =	vadd.s32 v14, v6;
	v6 =	vmov v12;
	v15 =	vadd.s32 v16, v15  }
0x14f: {  	v14 =	vadd.s32 $0xFFFFFFFF, v14;
	vm2 =	vlt.s32 v15, $0x200  }
0x150: {  	vm1 =	vmand vm1, vm2;
	_ =	sdelay $0x3  }
0x151: {  	[tilespmem:v14+s14+$0x0] =	vst.idx.msk vm0, v8  }
0x152: {  	[tilespmem:v14+s15+$0x0] =	vst.idx.msk vm0, v10  }
.Ltmp15:
0x153: {  	[tilespmem:v15+s14+$0x0] =	vst.idx.msk vm1, v8;
	(pc) =	sbr.rel @p2 .LBB2_24-.Ltmp15, $4  }
0x154: {  	s28 =	sadd.s32 $0x10, s28;
	[tilespmem:v15+s15+$0x0] =	vst.idx.msk vm1, v10  }
0x155: {  	s29 =	sadd.s32 $0x10, s29;
	v8 =	vld [tilespmem:s28+$0x0]  }
0x156: {  	v10 =	vld [tilespmem:s29+$0x0]  }
0x157: {  	s30 =	sadd.s32 $0xFFFFFFFF, s30  }
.LBB2_25:
0x158: {  	s26 =	sadd.s32 @p1 $0x10, s26  }
0x159: {  	s25 =	smov.u32 @p1 s26  }
0x15a: {  	v12 =	vor.u32 s25, v0;
	v13 =	vand.u32 $0x3FF, v8  }
0x15b: {  	vm0 =	vlt.s32 v12, v5;
	vm1 =	vgt.s32 v13, v9  }
0x15c: {  	vm2 =	veq.s32 v13, v9;
	vm1 =	vmand vm0, vm1  }
0x15d: {  	vm0 =	vmand vm0, vm2;
	v5 =	vsel vm1, $0x1, v1  }
0x15e: {  	v63 =	vsel vm0, $0x1, v1;
	(xrf0) =	vadd.scan.msk.s32 $0xffff, v5  }
0x15f: {  	(xrf0) =	vadd.scan.msk.s32 $0xffff, v63;
	_ =	sdelay $0x4  }
0x160: {  	v5, _, _ =	vpop (xrf0)  }
0x161: {  	v7 =	vadd.s32 v11, v7;
	v9, _, _ =	vpop (xrf0)  }
0x162: {  	v5 =	vadd.s32 v5, v6;
	v6 =	vadd.s32 v9, v7  }
0x163: {  	v5 =	vadd.s32 $0xFFFFFFFF, v5;
	vm15 =	vlt.s32 v6, $0x200  }
0x164: {  	vm0 =	vmand vm0, vm15;
	_ =	sdelay $0x3  }
0x165: {  	[tilespmem:v5+s14+$0x0] =	vst.idx.msk vm1, v8  }
0x166: {  	[tilespmem:v5+s15+$0x0] =	vst.idx.msk vm1, v10  }
0x167: {  	[tilespmem:v6+s14+$0x0] =	vst.idx.msk vm0, v8  }
0x168: {  	[tilespmem:v6+s15+$0x0] =	vst.idx.msk vm0, v10  }
.LBB2_26:
0x169: {  	[tilespmem:$0x3E00] =	vst v1  }
0x16a: {  	[tilespmem:$0x3E10] =	vst v1;
	s26 =	simm.s32 $0x3420  }
0x16b: {  	v5 =	vld [tilespmem:s26+$0x10];
	_ =	sdelay $0x1  }
0x16c: {  	v9 =	vld [tilespmem:s26+$0xFFFFFFF0]  }
0x16d: {  	v6 =	vld [tilespmem:s26+$0x0]  }
0x16e: {  	v8 =	vld [tilespmem:s26+$0xFFFFFFE0]  }
0x16f: {  	v7 =	vandn.u32 $0x1F, v5;
	_ =	sdelay $0x1  }
0x170: {  	s25 =	simm.s32 $0x0;
	s26 =	simm.s32 $0x3460;
	v5 =	vandn.u32 $0x1F, v9  }
.LBB2_27:
0x171: {  	v9 =	vld [tilespmem:s26+$0x10];
	s25 =	sadd.s32 $0x4, s25;
	v10 =	vandn.u32 $0x1F, v6  }
0x172: {  	v11 =	vld [tilespmem:s26+$0xFFFFFFF0];
	p1 =	slt.u32 s25, $0x1C;
	v12 =	vandn.u32 $0x1F, v8  }
0x173: {  	[tilespmem:v7+s18+$0x0] =	vst.idx.add.s32.msk $0xffff, v2  }
.Ltmp16:
0x174: {  	v6 =	vld [tilespmem:s26+$0x0];
	(pc) =	sbr.rel @p1 .LBB2_27-.Ltmp16, $4  }
0x175: {  	v8 =	vld [tilespmem:s26+$0xFFFFFFE0]  }
0x176: {  	v7 =	vandn.u32 $0x1F, v9;
	[tilespmem:v5+s18+$0x0] =	vst.idx.add.s32.msk $0xffff, v2  }
0x177: {  	v5 =	vandn.u32 $0x1F, v11;
	[tilespmem:v12+s18+$0x0] =	vst.idx.add.s32.msk $0xffff, v2  }
0x178: {  	s26 =	sadd.s32 $0x40, s26;
	[tilespmem:v10+s18+$0x0] =	vst.idx.add.s32.msk $0xffff, v2  }
0x179: {  	_ = 	snop  }
0x17a: {  	v6 =	vandn.u32 $0x1F, v6  }
0x17b: {  	v8 =	vandn.u32 $0x1F, v8;
	_ =	sdelay $0x1  }
0x17c: {  	[tilespmem:v7+s18+$0x0] =	vst.idx.add.s32.msk $0xffff, v2  }
0x17d: {  	[tilespmem:v5+s18+$0x0] =	vst.idx.add.s32.msk $0xffff, v2  }
0x17e: {  	[tilespmem:v6+s18+$0x0] =	vst.idx.add.s32.msk $0xffff, v2  }
0x17f: {  	[tilespmem:v8+s18+$0x0] =	vst.idx.add.s32.msk $0xffff, v2  }
0x180: {  	v5 =	vld [tilespmem:$0x3E00];
	_ =	sdelay $0x2  }
0x181: {  	v6 =	vld [tilespmem:$0x3E10];
	_ =	sdelay $0x1  }
0x182: {  	(xrf0) =	vadd.scan.msk.s32 $0xffff, v5;
	_ =	sdelay $0x2  }
0x183: {  	(xrf0) =	vadd.scan.msk.s32 $0xffff, v6;
	_ =	sdelay $0x2  }
0x184: {  	v7, _, _ =	vpop (xrf0)  }
0x185: {  	v8 =	vperm.xlane v7, v4;
	_ =	sdelay $0x1  }
0x186: {  	v5 =	vsub.s32 v7, v5;
	v7, _, _ =	vpop (xrf0);
	v6 =	vsub.s32 v8, v6  }
0x187: {  	[tilespmem:$0x3E80] =	vst v5;
	v5 =	vadd.s32 v7, v6  }
0x188: {  	s25 =	simm.s32 $0x0;
	[tilespmem:$0x3E90] =	vst v5  }
0x189: {  	v5 =	vld [tilespmem:s25+$0x3400]  }
0x18a: {  	v6 =	vld [tilespmem:s25+$0x3600];
	s25 =	simm.s32 $0x40  }
.LBB2_29:
0x18b: {  	p1 =	sne.s32 s25, $0x7C0;
	_ =	sdelay $0x2  }
0x18c: {  	v7 =	vandn.u32 $0x1F, v5  }
0x18d: {  	(xrf1) =	vunique.msk.u32 $0xffff, v7;
	_ =	sdelay $0x8  }
0x18e: {  	v8 =	vld.idx.msk [tilespmem:v7+s19+$0x0], $0xffff;
	_ =	sdelay $0x4  }
0x18f: {  	_, v9, vm0 =	vpop (xrf1)  }
0x190: {  	v8 =	vadd.s32 v9, v8  }
0x191: {  	v8 =	vadd.s32 $0xFFFFFFFF, v8;
	_ =	sdelay $0x4  }
.Ltmp17:
0x192: {  	[tilespmem:v8+s20+$0x0] =	vst.idx.msk $0xffff, v5;
	(pc) =	sbr.rel @p1 .LBB2_29-.Ltmp17, $4  }
0x193: {  	[tilespmem:v8+s21+$0x0] =	vst.idx.msk $0xffff, v6  }
0x194: {  	s26 =	sshra.s32 s25, $0x2;
	[tilespmem:v7+s19+$0x0] =	vst.idx.add.s32.msk vm0, v9  }
0x195: {  	v5 =	vld [tilespmem:s26+$0x3400]  }
0x196: {  	s25 =	sadd.s32 $0x40, s25;
	v6 =	vld [tilespmem:s26+$0x3600]  }
0x197: {  	_ =	sdelay $0x2  }
0x198: {  	v7 =	vandn.u32 $0x1F, v5  }
0x199: {  	(xrf1) =	vunique.msk.u32 $0xffff, v7;
	_ =	sdelay $0x9  }
0x19a: {  	v8 =	vld.idx.msk [tilespmem:v7+s19+$0x0], $0xffff;
	_ =	sdelay $0x3  }
0x19b: {  	_, v9, vm0 =	vpop (xrf1)  }
0x19c: {  	v8 =	vadd.s32 v9, v8  }
0x19d: {  	v8 =	vadd.s32 $0xFFFFFFFF, v8;
	_ =	sdelay $0x4  }
0x19e: {  	[tilespmem:v8+s20+$0x0] =	vst.idx.msk $0xffff, v5  }
0x19f: {  	[tilespmem:v8+s21+$0x0] =	vst.idx.msk $0xffff, v6  }
0x1a0: {  	[tilespmem:v7+s19+$0x0] =	vst.idx.add.s32.msk vm0, v9  }
0x1a1: {  	[tilespmem:$0x3E00] =	vst v1  }
0x1a2: {  	s26 =	simm.s32 $0x3820;
	[tilespmem:$0x3E10] =	vst v1  }
0x1a3: {  	v6 =	vld [tilespmem:s26+$0xFFFFFFF0];
	_ =	sdelay $0x1  }
0x1a4: {  	v5 =	vld [tilespmem:s26+$0x10];
	_ =	sdelay $0x1  }
0x1a5: {  	v8 =	vld [tilespmem:s26+$0x0]  }
0x1a6: {  	v7 =	vxor.u32 $0xFFFFFFFF, v6;
	v6 =	vld [tilespmem:s26+$0xFFFFFFE0];
	_ =	sdelay $0x1  }
0x1a7: {  	v5 =	vxor.u32 $0xFFFFFFFF, v5  }
0x1a8: {  	v5 =	vshrl.u32 v5, $0x5  }
0x1a9: {  	s25 =	simm.s32 $0x0;
	v8 =	vxor.u32 $0xFFFFFFFF, v8;
	s26 =	simm.s32 $0x3860;
	v7 =	vshrl.u32 v7, $0x5;
	v5 =	vand.u32 $0x1F, v5  }
.LBB2_31:
0x1aa: {  	v9 =	vld [tilespmem:s26+$0x10];
	s25 =	sadd.s32 $0x4, s25;
	v6 =	vxor.u32 $0xFFFFFFFF, v6;
	v7 =	vand.u32 $0x1F, v7;
	v8 =	vshrl.u32 v8, $0x5  }
0x1ab: {  	v10 =	vld [tilespmem:s26+$0xFFFFFFF0];
	p1 =	slt.u32 s25, $0x1C;
	v6 =	vshrl.u32 v6, $0x5;
	v8 =	vand.u32 $0x1F, v8  }
0x1ac: {  	v11 =	vld [tilespmem:s26+$0x0];
	v12 =	vand.u32 $0x1F, v6  }
.Ltmp18:
0x1ad: {  	v6 =	vld [tilespmem:s26+$0xFFFFFFE0];
	(pc) =	sbr.rel @p1 .LBB2_31-.Ltmp18, $4  }
0x1ae: {  	[tilespmem:v5+s18+$0x0] =	vst.idx.add.s32.msk $0xffff, v2  }
0x1af: {  	v5 =	vxor.u32 $0xFFFFFFFF, v9;
	[tilespmem:v7+s18+$0x0] =	vst.idx.add.s32.msk $0xffff, v2  }
0x1b0: {  	v7 =	vxor.u32 $0xFFFFFFFF, v10;
	v5 =	vshrl.u32 v5, $0x5;
	[tilespmem:v8+s18+$0x0] =	vst.idx.add.s32.msk $0xffff, v2  }
0x1b1: {  	s26 =	sadd.s32 $0x40, s26;
	v7 =	vshrl.u32 v7, $0x5;
	v8 =	vxor.u32 $0xFFFFFFFF, v11;
	v5 =	vand.u32 $0x1F, v5;
	[tilespmem:v12+s18+$0x0] =	vst.idx.add.s32.msk $0xffff, v2  }
0x1b2: {  	v6 =	vxor.u32 $0xFFFFFFFF, v6;
	v7 =	vand.u32 $0x1F, v7;
	v8 =	vshrl.u32 v8, $0x5  }
0x1b3: {  	v6 =	vshrl.u32 v6, $0x5;
	v8 =	vand.u32 $0x1F, v8  }
0x1b4: {  	v6 =	vand.u32 $0x1F, v6;
	_ =	sdelay $0x1  }
0x1b5: {  	[tilespmem:v5+s18+$0x0] =	vst.idx.add.s32.msk $0xffff, v2  }
0x1b6: {  	[tilespmem:v7+s18+$0x0] =	vst.idx.add.s32.msk $0xffff, v2  }
0x1b7: {  	[tilespmem:v8+s18+$0x0] =	vst.idx.add.s32.msk $0xffff, v2  }
0x1b8: {  	[tilespmem:v6+s18+$0x0] =	vst.idx.add.s32.msk $0xffff, v2  }
0x1b9: {  	v5 =	vld [tilespmem:$0x3E00];
	_ =	sdelay $0x2  }
0x1ba: {  	v6 =	vld [tilespmem:$0x3E10];
	_ =	sdelay $0x1  }
0x1bb: {  	(xrf0) =	vadd.scan.msk.s32 $0xffff, v5;
	_ =	sdelay $0x2  }
0x1bc: {  	(xrf0) =	vadd.scan.msk.s32 $0xffff, v6;
	_ =	sdelay $0x2  }
0x1bd: {  	v7, _, _ =	vpop (xrf0)  }
0x1be: {  	v8 =	vperm.xlane v7, v4;
	_ =	sdelay $0x1  }
0x1bf: {  	v5 =	vsub.s32 v7, v5;
	v7, _, _ =	vpop (xrf0);
	v6 =	vsub.s32 v8, v6  }
0x1c0: {  	[tilespmem:$0x3E80] =	vst v5;
	v5 =	vadd.s32 v7, v6  }
0x1c1: {  	s25 =	simm.s32 $0x0;
	[tilespmem:$0x3E90] =	vst v5  }
0x1c2: {  	v5 =	vld [tilespmem:s25+$0x3800]  }
0x1c3: {  	v6 =	vld [tilespmem:s25+$0x3A00];
	s25 =	simm.s32 $0x40  }
.LBB2_33:
0x1c4: {  	p1 =	sne.s32 s25, $0x7C0;
	_ =	sdelay $0x2  }
0x1c5: {  	v7 =	vxor.u32 $0xFFFFFFFF, v5  }
0x1c6: {  	v7 =	vshrl.u32 v7, $0x5  }
0x1c7: {  	v7 =	vand.u32 $0x1F, v7  }
0x1c8: {  	(xrf1) =	vunique.msk.u32 $0xffff, v7;
	_ =	sdelay $0x8  }
0x1c9: {  	v8 =	vld.idx.msk [tilespmem:v7+s19+$0x0], $0xffff;
	_ =	sdelay $0x4  }
0x1ca: {  	_, v9, vm0 =	vpop (xrf1)  }
0x1cb: {  	v8 =	vadd.s32 v9, v8  }
0x1cc: {  	v8 =	vadd.s32 $0xFFFFFFFF, v8;
	_ =	sdelay $0x4  }
.Ltmp19:
0x1cd: {  	[tilespmem:v8+s14+$0x0] =	vst.idx.msk $0xffff, v5;
	(pc) =	sbr.rel @p1 .LBB2_33-.Ltmp19, $4  }
0x1ce: {  	[tilespmem:v8+s15+$0x0] =	vst.idx.msk $0xffff, v6  }
0x1cf: {  	s26 =	sshra.s32 s25, $0x2;
	[tilespmem:v7+s19+$0x0] =	vst.idx.add.s32.msk vm0, v9  }
0x1d0: {  	v5 =	vld [tilespmem:s26+$0x3800]  }
0x1d1: {  	s25 =	sadd.s32 $0x40, s25;
	v6 =	vld [tilespmem:s26+$0x3A00]  }
0x1d2: {  	_ =	sdelay $0x2  }
0x1d3: {  	v7 =	vxor.u32 $0xFFFFFFFF, v5  }
0x1d4: {  	v7 =	vshrl.u32 v7, $0x5  }
0x1d5: {  	v7 =	vand.u32 $0x1F, v7  }
0x1d6: {  	(xrf1) =	vunique.msk.u32 $0xffff, v7;
	_ =	sdelay $0x9  }
0x1d7: {  	v8 =	vld.idx.msk [tilespmem:v7+s19+$0x0], $0xffff;
	_ =	sdelay $0x3  }
0x1d8: {  	_, v9, vm0 =	vpop (xrf1)  }
0x1d9: {  	v8 =	vadd.s32 v9, v8  }
0x1da: {  	v8 =	vadd.s32 $0xFFFFFFFF, v8;
	_ =	sdelay $0x4  }
0x1db: {  	[tilespmem:v8+s14+$0x0] =	vst.idx.msk $0xffff, v5  }
0x1dc: {  	[tilespmem:v8+s15+$0x0] =	vst.idx.msk $0xffff, v6  }
0x1dd: {  	[tilespmem:v7+s19+$0x0] =	vst.idx.add.s32.msk vm0, v9  }
0x1de: {  	[tilespmem:$0x3E00] =	vst v1  }
0x1df: {  	s26 =	simm.s32 $0x3420;
	[tilespmem:$0x3E10] =	vst v1  }
0x1e0: {  	v6 =	vld [tilespmem:s26+$0xFFFFFFF0];
	_ =	sdelay $0x1  }
0x1e1: {  	v5 =	vld [tilespmem:s26+$0x10];
	_ =	sdelay $0x1  }
0x1e2: {  	v8 =	vld [tilespmem:s26+$0x0]  }
0x1e3: {  	v7 =	vxor.u32 $0xFFFFFFFF, v6;
	v6 =	vld [tilespmem:s26+$0xFFFFFFE0];
	_ =	sdelay $0x1  }
0x1e4: {  	v5 =	vxor.u32 $0xFFFFFFFF, v5  }
0x1e5: {  	v5 =	vshrl.u32 v5, $0xA  }
0x1e6: {  	s25 =	simm.s32 $0x0;
	v8 =	vxor.u32 $0xFFFFFFFF, v8;
	s26 =	simm.s32 $0x3460;
	v7 =	vshrl.u32 v7, $0xA;
	v5 =	vand.u32 $0x1F, v5  }
.LBB2_35:
0x1e7: {  	v9 =	vld [tilespmem:s26+$0x10];
	s25 =	sadd.s32 $0x4, s25;
	v6 =	vxor.u32 $0xFFFFFFFF, v6;
	v7 =	vand.u32 $0x1F, v7;
	v8 =	vshrl.u32 v8, $0xA  }
0x1e8: {  	v10 =	vld [tilespmem:s26+$0xFFFFFFF0];
	p1 =	slt.u32 s25, $0x1C;
	v6 =	vshrl.u32 v6, $0xA;
	v8 =	vand.u32 $0x1F, v8  }
0x1e9: {  	v11 =	vld [tilespmem:s26+$0x0];
	v12 =	vand.u32 $0x1F, v6  }
.Ltmp20:
0x1ea: {  	v6 =	vld [tilespmem:s26+$0xFFFFFFE0];
	(pc) =	sbr.rel @p1 .LBB2_35-.Ltmp20, $4  }
0x1eb: {  	[tilespmem:v5+s18+$0x0] =	vst.idx.add.s32.msk $0xffff, v2  }
0x1ec: {  	v5 =	vxor.u32 $0xFFFFFFFF, v9;
	[tilespmem:v7+s18+$0x0] =	vst.idx.add.s32.msk $0xffff, v2  }
0x1ed: {  	v7 =	vxor.u32 $0xFFFFFFFF, v10;
	v5 =	vshrl.u32 v5, $0xA;
	[tilespmem:v8+s18+$0x0] =	vst.idx.add.s32.msk $0xffff, v2  }
0x1ee: {  	s26 =	sadd.s32 $0x40, s26;
	v7 =	vshrl.u32 v7, $0xA;
	v8 =	vxor.u32 $0xFFFFFFFF, v11;
	v5 =	vand.u32 $0x1F, v5;
	[tilespmem:v12+s18+$0x0] =	vst.idx.add.s32.msk $0xffff, v2  }
0x1ef: {  	v6 =	vxor.u32 $0xFFFFFFFF, v6;
	v7 =	vand.u32 $0x1F, v7;
	v8 =	vshrl.u32 v8, $0xA  }
0x1f0: {  	v6 =	vshrl.u32 v6, $0xA;
	v8 =	vand.u32 $0x1F, v8  }
0x1f1: {  	v6 =	vand.u32 $0x1F, v6;
	_ =	sdelay $0x1  }
0x1f2: {  	[tilespmem:v5+s18+$0x0] =	vst.idx.add.s32.msk $0xffff, v2  }
0x1f3: {  	[tilespmem:v7+s18+$0x0] =	vst.idx.add.s32.msk $0xffff, v2  }
0x1f4: {  	[tilespmem:v8+s18+$0x0] =	vst.idx.add.s32.msk $0xffff, v2  }
0x1f5: {  	[tilespmem:v6+s18+$0x0] =	vst.idx.add.s32.msk $0xffff, v2  }
0x1f6: {  	v5 =	vld [tilespmem:$0x3E00];
	_ =	sdelay $0x2  }
0x1f7: {  	v6 =	vld [tilespmem:$0x3E10];
	_ =	sdelay $0x1  }
0x1f8: {  	(xrf0) =	vadd.scan.msk.s32 $0xffff, v5;
	_ =	sdelay $0x2  }
0x1f9: {  	(xrf0) =	vadd.scan.msk.s32 $0xffff, v6;
	_ =	sdelay $0x2  }
0x1fa: {  	v7, _, _ =	vpop (xrf0)  }
0x1fb: {  	v8 =	vperm.xlane v7, v4;
	_ =	sdelay $0x1  }
0x1fc: {  	v5 =	vsub.s32 v7, v5;
	v7, _, _ =	vpop (xrf0);
	v6 =	vsub.s32 v8, v6  }
0x1fd: {  	[tilespmem:$0x3E80] =	vst v5;
	v5 =	vadd.s32 v7, v6  }
0x1fe: {  	s25 =	simm.s32 $0x0;
	[tilespmem:$0x3E90] =	vst v5  }
0x1ff: {  	v5 =	vld [tilespmem:s25+$0x3400]  }
0x200: {  	v6 =	vld [tilespmem:s25+$0x3600];
	s25 =	simm.s32 $0x40  }
.LBB2_37:
0x201: {  	p1 =	sne.s32 s25, $0x7C0;
	_ =	sdelay $0x2  }
0x202: {  	v7 =	vxor.u32 $0xFFFFFFFF, v5  }
0x203: {  	v7 =	vshrl.u32 v7, $0xA  }
0x204: {  	v7 =	vand.u32 $0x1F, v7  }
0x205: {  	(xrf1) =	vunique.msk.u32 $0xffff, v7;
	_ =	sdelay $0x8  }
0x206: {  	v8 =	vld.idx.msk [tilespmem:v7+s19+$0x0], $0xffff;
	_ =	sdelay $0x4  }
0x207: {  	_, v9, vm0 =	vpop (xrf1)  }
0x208: {  	v8 =	vadd.s32 v9, v8  }
0x209: {  	v8 =	vadd.s32 $0xFFFFFFFF, v8;
	_ =	sdelay $0x4  }
.Ltmp21:
0x20a: {  	[tilespmem:v8+s20+$0x0] =	vst.idx.msk $0xffff, v5;
	(pc) =	sbr.rel @p1 .LBB2_37-.Ltmp21, $4  }
0x20b: {  	[tilespmem:v8+s21+$0x0] =	vst.idx.msk $0xffff, v6  }
0x20c: {  	s26 =	sshra.s32 s25, $0x2;
	[tilespmem:v7+s19+$0x0] =	vst.idx.add.s32.msk vm0, v9  }
0x20d: {  	v5 =	vld [tilespmem:s26+$0x3400]  }
0x20e: {  	s25 =	sadd.s32 $0x40, s25;
	v6 =	vld [tilespmem:s26+$0x3600]  }
0x20f: {  	_ =	sdelay $0x2  }
0x210: {  	v7 =	vxor.u32 $0xFFFFFFFF, v5  }
0x211: {  	v7 =	vshrl.u32 v7, $0xA  }
0x212: {  	v7 =	vand.u32 $0x1F, v7  }
0x213: {  	(xrf1) =	vunique.msk.u32 $0xffff, v7;
	_ =	sdelay $0x9  }
0x214: {  	v8 =	vld.idx.msk [tilespmem:v7+s19+$0x0], $0xffff;
	_ =	sdelay $0x3  }
0x215: {  	_, v9, vm0 =	vpop (xrf1)  }
0x216: {  	v8 =	vadd.s32 v9, v8  }
0x217: {  	v8 =	vadd.s32 $0xFFFFFFFF, v8;
	_ =	sdelay $0x4  }
0x218: {  	[tilespmem:v8+s20+$0x0] =	vst.idx.msk $0xffff, v5  }
0x219: {  	[tilespmem:v8+s21+$0x0] =	vst.idx.msk $0xffff, v6  }
0x21a: {  	[tilespmem:v7+s19+$0x0] =	vst.idx.add.s32.msk vm0, v9  }
0x21b: {  	[tilespmem:$0x3E00] =	vst v1  }
0x21c: {  	s26 =	simm.s32 $0x3820;
	[tilespmem:$0x3E10] =	vst v1  }
0x21d: {  	v6 =	vld [tilespmem:s26+$0xFFFFFFF0];
	_ =	sdelay $0x1  }
0x21e: {  	v5 =	vld [tilespmem:s26+$0x10];
	_ =	sdelay $0x1  }
0x21f: {  	v8 =	vld [tilespmem:s26+$0x0]  }
0x220: {  	v7 =	vxor.u32 $0xFFFFFFFF, v6;
	v6 =	vld [tilespmem:s26+$0xFFFFFFE0];
	_ =	sdelay $0x1  }
0x221: {  	v5 =	vxor.u32 $0xFFFFFFFF, v5  }
0x222: {  	v5 =	vshrl.u32 v5, $0xF  }
0x223: {  	s25 =	simm.s32 $0x0;
	v8 =	vxor.u32 $0xFFFFFFFF, v8;
	s26 =	simm.s32 $0x3860;
	v7 =	vshrl.u32 v7, $0xF;
	v5 =	vand.u32 $0x1F, v5  }
.LBB2_39:
0x224: {  	v9 =	vld [tilespmem:s26+$0x10];
	s25 =	sadd.s32 $0x4, s25;
	v6 =	vxor.u32 $0xFFFFFFFF, v6;
	v7 =	vand.u32 $0x1F, v7;
	v8 =	vshrl.u32 v8, $0xF  }
0x225: {  	v10 =	vld [tilespmem:s26+$0xFFFFFFF0];
	p1 =	slt.u32 s25, $0x1C;
	v6 =	vshrl.u32 v6, $0xF;
	v8 =	vand.u32 $0x1F, v8  }
0x226: {  	v11 =	vld [tilespmem:s26+$0x0];
	v12 =	vand.u32 $0x1F, v6  }
.Ltmp22:
0x227: {  	v6 =	vld [tilespmem:s26+$0xFFFFFFE0];
	(pc) =	sbr.rel @p1 .LBB2_39-.Ltmp22, $4  }
0x228: {  	[tilespmem:v5+s18+$0x0] =	vst.idx.add.s32.msk $0xffff, v2  }
0x229: {  	v5 =	vxor.u32 $0xFFFFFFFF, v9;
	[tilespmem:v7+s18+$0x0] =	vst.idx.add.s32.msk $0xffff, v2  }
0x22a: {  	v7 =	vxor.u32 $0xFFFFFFFF, v10;
	v5 =	vshrl.u32 v5, $0xF;
	[tilespmem:v8+s18+$0x0] =	vst.idx.add.s32.msk $0xffff, v2  }
0x22b: {  	s26 =	sadd.s32 $0x40, s26;
	v7 =	vshrl.u32 v7, $0xF;
	v8 =	vxor.u32 $0xFFFFFFFF, v11;
	v5 =	vand.u32 $0x1F, v5;
	[tilespmem:v12+s18+$0x0] =	vst.idx.add.s32.msk $0xffff, v2  }
0x22c: {  	v6 =	vxor.u32 $0xFFFFFFFF, v6;
	v7 =	vand.u32 $0x1F, v7;
	v8 =	vshrl.u32 v8, $0xF  }
0x22d: {  	v6 =	vshrl.u32 v6, $0xF;
	v8 =	vand.u32 $0x1F, v8  }
0x22e: {  	v6 =	vand.u32 $0x1F, v6;
	_ =	sdelay $0x1  }
0x22f: {  	[tilespmem:v5+s18+$0x0] =	vst.idx.add.s32.msk $0xffff, v2  }
0x230: {  	[tilespmem:v7+s18+$0x0] =	vst.idx.add.s32.msk $0xffff, v2  }
0x231: {  	[tilespmem:v8+s18+$0x0] =	vst.idx.add.s32.msk $0xffff, v2  }
0x232: {  	[tilespmem:v6+s18+$0x0] =	vst.idx.add.s32.msk $0xffff, v2  }
0x233: {  	v5 =	vld [tilespmem:$0x3E00];
	_ =	sdelay $0x2  }
0x234: {  	v6 =	vld [tilespmem:$0x3E10];
	_ =	sdelay $0x1  }
0x235: {  	(xrf0) =	vadd.scan.msk.s32 $0xffff, v5;
	_ =	sdelay $0x2  }
0x236: {  	(xrf0) =	vadd.scan.msk.s32 $0xffff, v6;
	_ =	sdelay $0x2  }
0x237: {  	v7, _, _ =	vpop (xrf0)  }
0x238: {  	v8 =	vperm.xlane v7, v4;
	_ =	sdelay $0x1  }
0x239: {  	v5 =	vsub.s32 v7, v5;
	v7, _, _ =	vpop (xrf0);
	v6 =	vsub.s32 v8, v6  }
0x23a: {  	[tilespmem:$0x3E80] =	vst v5;
	v5 =	vadd.s32 v7, v6  }
0x23b: {  	s25 =	simm.s32 $0x0;
	[tilespmem:$0x3E90] =	vst v5  }
0x23c: {  	v5 =	vld [tilespmem:s25+$0x3800]  }
0x23d: {  	v6 =	vld [tilespmem:s25+$0x3A00];
	s25 =	simm.s32 $0x40  }
.LBB2_41:
0x23e: {  	p1 =	sne.s32 s25, $0x7C0;
	_ =	sdelay $0x2  }
0x23f: {  	v7 =	vxor.u32 $0xFFFFFFFF, v5  }
0x240: {  	v7 =	vshrl.u32 v7, $0xF  }
0x241: {  	v7 =	vand.u32 $0x1F, v7  }
0x242: {  	(xrf1) =	vunique.msk.u32 $0xffff, v7;
	_ =	sdelay $0x8  }
0x243: {  	v8 =	vld.idx.msk [tilespmem:v7+s19+$0x0], $0xffff;
	_ =	sdelay $0x4  }
0x244: {  	_, v9, vm0 =	vpop (xrf1)  }
0x245: {  	v8 =	vadd.s32 v9, v8  }
0x246: {  	v8 =	vadd.s32 $0xFFFFFFFF, v8;
	_ =	sdelay $0x4  }
.Ltmp23:
0x247: {  	[tilespmem:v8+s14+$0x0] =	vst.idx.msk $0xffff, v5;
	(pc) =	sbr.rel @p1 .LBB2_41-.Ltmp23, $4  }
0x248: {  	[tilespmem:v8+s15+$0x0] =	vst.idx.msk $0xffff, v6  }
0x249: {  	s26 =	sshra.s32 s25, $0x2;
	[tilespmem:v7+s19+$0x0] =	vst.idx.add.s32.msk vm0, v9  }
0x24a: {  	v5 =	vld [tilespmem:s26+$0x3800]  }
0x24b: {  	s25 =	sadd.s32 $0x40, s25;
	v6 =	vld [tilespmem:s26+$0x3A00]  }
0x24c: {  	_ =	sdelay $0x2  }
0x24d: {  	v7 =	vxor.u32 $0xFFFFFFFF, v5  }
0x24e: {  	v7 =	vshrl.u32 v7, $0xF  }
0x24f: {  	v7 =	vand.u32 $0x1F, v7  }
0x250: {  	(xrf1) =	vunique.msk.u32 $0xffff, v7;
	_ =	sdelay $0x9  }
0x251: {  	v8 =	vld.idx.msk [tilespmem:v7+s19+$0x0], $0xffff;
	_ =	sdelay $0x3  }
0x252: {  	_, v9, vm0 =	vpop (xrf1)  }
0x253: {  	v8 =	vadd.s32 v9, v8  }
0x254: {  	v8 =	vadd.s32 $0xFFFFFFFF, v8;
	_ =	sdelay $0x4  }
0x255: {  	[tilespmem:v8+s14+$0x0] =	vst.idx.msk $0xffff, v5  }
0x256: {  	[tilespmem:v8+s15+$0x0] =	vst.idx.msk $0xffff, v6  }
0x257: {  	[tilespmem:v7+s19+$0x0] =	vst.idx.add.s32.msk vm0, v9  }
0x258: {  	[tilespmem:$0x3E00] =	vst v1  }
0x259: {  	s26 =	simm.s32 $0x3420;
	[tilespmem:$0x3E10] =	vst v1  }
0x25a: {  	v6 =	vld [tilespmem:s26+$0xFFFFFFF0];
	_ =	sdelay $0x1  }
0x25b: {  	v5 =	vld [tilespmem:s26+$0x10];
	_ =	sdelay $0x1  }
0x25c: {  	v8 =	vld [tilespmem:s26+$0x0]  }
0x25d: {  	v7 =	vxor.u32 $0xFFFFFFFF, v6;
	v6 =	vld [tilespmem:s26+$0xFFFFFFE0];
	_ =	sdelay $0x1  }
0x25e: {  	v5 =	vxor.u32 $0xFFFFFFFF, v5  }
0x25f: {  	v5 =	vshrl.u32 v5, $0x14  }
0x260: {  	s25 =	simm.s32 $0x0;
	v8 =	vxor.u32 $0xFFFFFFFF, v8;
	s26 =	simm.s32 $0x3460;
	v7 =	vshrl.u32 v7, $0x14;
	v5 =	vand.u32 $0x1F, v5  }
.LBB2_43:
0x261: {  	v9 =	vld [tilespmem:s26+$0x10];
	s25 =	sadd.s32 $0x4, s25;
	v6 =	vxor.u32 $0xFFFFFFFF, v6;
	v7 =	vand.u32 $0x1F, v7;
	v8 =	vshrl.u32 v8, $0x14  }
0x262: {  	v10 =	vld [tilespmem:s26+$0xFFFFFFF0];
	p1 =	slt.u32 s25, $0x1C;
	v6 =	vshrl.u32 v6, $0x14;
	v8 =	vand.u32 $0x1F, v8  }
0x263: {  	v11 =	vld [tilespmem:s26+$0x0];
	v12 =	vand.u32 $0x1F, v6  }
.Ltmp24:
0x264: {  	v6 =	vld [tilespmem:s26+$0xFFFFFFE0];
	(pc) =	sbr.rel @p1 .LBB2_43-.Ltmp24, $4  }
0x265: {  	[tilespmem:v5+s18+$0x0] =	vst.idx.add.s32.msk $0xffff, v2  }
0x266: {  	v5 =	vxor.u32 $0xFFFFFFFF, v9;
	[tilespmem:v7+s18+$0x0] =	vst.idx.add.s32.msk $0xffff, v2  }
0x267: {  	v7 =	vxor.u32 $0xFFFFFFFF, v10;
	v5 =	vshrl.u32 v5, $0x14;
	[tilespmem:v8+s18+$0x0] =	vst.idx.add.s32.msk $0xffff, v2  }
0x268: {  	s26 =	sadd.s32 $0x40, s26;
	v7 =	vshrl.u32 v7, $0x14;
	v8 =	vxor.u32 $0xFFFFFFFF, v11;
	v5 =	vand.u32 $0x1F, v5;
	[tilespmem:v12+s18+$0x0] =	vst.idx.add.s32.msk $0xffff, v2  }
0x269: {  	v6 =	vxor.u32 $0xFFFFFFFF, v6;
	v7 =	vand.u32 $0x1F, v7;
	v8 =	vshrl.u32 v8, $0x14  }
0x26a: {  	v6 =	vshrl.u32 v6, $0x14;
	v8 =	vand.u32 $0x1F, v8  }
0x26b: {  	v6 =	vand.u32 $0x1F, v6;
	_ =	sdelay $0x1  }
0x26c: {  	[tilespmem:v5+s18+$0x0] =	vst.idx.add.s32.msk $0xffff, v2  }
0x26d: {  	[tilespmem:v7+s18+$0x0] =	vst.idx.add.s32.msk $0xffff, v2  }
0x26e: {  	[tilespmem:v8+s18+$0x0] =	vst.idx.add.s32.msk $0xffff, v2  }
0x26f: {  	[tilespmem:v6+s18+$0x0] =	vst.idx.add.s32.msk $0xffff, v2  }
0x270: {  	v5 =	vld [tilespmem:$0x3E00];
	_ =	sdelay $0x2  }
0x271: {  	v6 =	vld [tilespmem:$0x3E10];
	_ =	sdelay $0x1  }
0x272: {  	(xrf0) =	vadd.scan.msk.s32 $0xffff, v5;
	_ =	sdelay $0x2  }
0x273: {  	(xrf0) =	vadd.scan.msk.s32 $0xffff, v6;
	_ =	sdelay $0x2  }
0x274: {  	v7, _, _ =	vpop (xrf0)  }
0x275: {  	v8 =	vperm.xlane v7, v4;
	_ =	sdelay $0x1  }
0x276: {  	v5 =	vsub.s32 v7, v5;
	v7, _, _ =	vpop (xrf0);
	v6 =	vsub.s32 v8, v6  }
0x277: {  	[tilespmem:$0x3E80] =	vst v5;
	v5 =	vadd.s32 v7, v6  }
0x278: {  	s25 =	simm.s32 $0x0;
	[tilespmem:$0x3E90] =	vst v5  }
0x279: {  	v5 =	vld [tilespmem:s25+$0x3400]  }
0x27a: {  	v6 =	vld [tilespmem:s25+$0x3600];
	s25 =	simm.s32 $0x40  }
.LBB2_45:
0x27b: {  	p1 =	sne.s32 s25, $0x7C0;
	_ =	sdelay $0x2  }
0x27c: {  	v7 =	vxor.u32 $0xFFFFFFFF, v5  }
0x27d: {  	v7 =	vshrl.u32 v7, $0x14  }
0x27e: {  	v7 =	vand.u32 $0x1F, v7  }
0x27f: {  	(xrf1) =	vunique.msk.u32 $0xffff, v7;
	_ =	sdelay $0x8  }
0x280: {  	v8 =	vld.idx.msk [tilespmem:v7+s19+$0x0], $0xffff;
	_ =	sdelay $0x4  }
0x281: {  	_, v9, vm0 =	vpop (xrf1)  }
0x282: {  	v8 =	vadd.s32 v9, v8  }
0x283: {  	v8 =	vadd.s32 $0xFFFFFFFF, v8;
	_ =	sdelay $0x4  }
.Ltmp25:
0x284: {  	[tilespmem:v8+s20+$0x0] =	vst.idx.msk $0xffff, v5;
	(pc) =	sbr.rel @p1 .LBB2_45-.Ltmp25, $4  }
0x285: {  	[tilespmem:v8+s21+$0x0] =	vst.idx.msk $0xffff, v6  }
0x286: {  	s26 =	sshra.s32 s25, $0x2;
	[tilespmem:v7+s19+$0x0] =	vst.idx.add.s32.msk vm0, v9  }
0x287: {  	v5 =	vld [tilespmem:s26+$0x3400]  }
0x288: {  	s25 =	sadd.s32 $0x40, s25;
	v6 =	vld [tilespmem:s26+$0x3600]  }
0x289: {  	_ =	sdelay $0x2  }
0x28a: {  	v7 =	vxor.u32 $0xFFFFFFFF, v5  }
0x28b: {  	v7 =	vshrl.u32 v7, $0x14  }
0x28c: {  	v7 =	vand.u32 $0x1F, v7  }
0x28d: {  	(xrf1) =	vunique.msk.u32 $0xffff, v7;
	_ =	sdelay $0x9  }
0x28e: {  	v8 =	vld.idx.msk [tilespmem:v7+s19+$0x0], $0xffff;
	_ =	sdelay $0x3  }
0x28f: {  	_, v9, vm0 =	vpop (xrf1)  }
0x290: {  	v8 =	vadd.s32 v9, v8  }
0x291: {  	v8 =	vadd.s32 $0xFFFFFFFF, v8;
	_ =	sdelay $0x4  }
0x292: {  	[tilespmem:v8+s20+$0x0] =	vst.idx.msk $0xffff, v5  }
0x293: {  	[tilespmem:v8+s21+$0x0] =	vst.idx.msk $0xffff, v6  }
0x294: {  	[tilespmem:v7+s19+$0x0] =	vst.idx.add.s32.msk vm0, v9  }
0x295: {  	[tilespmem:$0x3E00] =	vst v1  }
0x296: {  	s26 =	simm.s32 $0x3820;
	[tilespmem:$0x3E10] =	vst v1  }
0x297: {  	v6 =	vld [tilespmem:s26+$0xFFFFFFF0];
	_ =	sdelay $0x1  }
0x298: {  	v5 =	vld [tilespmem:s26+$0x10];
	_ =	sdelay $0x1  }
0x299: {  	v8 =	vld [tilespmem:s26+$0x0]  }
0x29a: {  	v7 =	vxor.u32 $0xFFFFFFFF, v6;
	v6 =	vld [tilespmem:s26+$0xFFFFFFE0];
	_ =	sdelay $0x1  }
0x29b: {  	v5 =	vxor.u32 $0xFFFFFFFF, v5  }
0x29c: {  	v5 =	vshrl.u32 v5, $0x19  }
0x29d: {  	s25 =	simm.s32 $0x0;
	v8 =	vxor.u32 $0xFFFFFFFF, v8;
	s26 =	simm.s32 $0x3860;
	v7 =	vshrl.u32 v7, $0x19;
	v5 =	vand.u32 $0x1F, v5  }
.LBB2_47:
0x29e: {  	v9 =	vld [tilespmem:s26+$0x10];
	s25 =	sadd.s32 $0x4, s25;
	v6 =	vxor.u32 $0xFFFFFFFF, v6;
	v7 =	vand.u32 $0x1F, v7;
	v8 =	vshrl.u32 v8, $0x19  }
0x29f: {  	v10 =	vld [tilespmem:s26+$0xFFFFFFF0];
	p1 =	slt.u32 s25, $0x1C;
	v6 =	vshrl.u32 v6, $0x19;
	v8 =	vand.u32 $0x1F, v8  }
0x2a0: {  	v11 =	vld [tilespmem:s26+$0x0];
	v12 =	vand.u32 $0x1F, v6  }
.Ltmp26:
0x2a1: {  	v6 =	vld [tilespmem:s26+$0xFFFFFFE0];
	(pc) =	sbr.rel @p1 .LBB2_47-.Ltmp26, $4  }
0x2a2: {  	[tilespmem:v5+s18+$0x0] =	vst.idx.add.s32.msk $0xffff, v2  }
0x2a3: {  	v5 =	vxor.u32 $0xFFFFFFFF, v9;
	[tilespmem:v7+s18+$0x0] =	vst.idx.add.s32.msk $0xffff, v2  }
0x2a4: {  	v7 =	vxor.u32 $0xFFFFFFFF, v10;
	v5 =	vshrl.u32 v5, $0x19;
	[tilespmem:v8+s18+$0x0] =	vst.idx.add.s32.msk $0xffff, v2  }
0x2a5: {  	s26 =	sadd.s32 $0x40, s26;
	v7 =	vshrl.u32 v7, $0x19;
	v8 =	vxor.u32 $0xFFFFFFFF, v11;
	v5 =	vand.u32 $0x1F, v5;
	[tilespmem:v12+s18+$0x0] =	vst.idx.add.s32.msk $0xffff, v2  }
0x2a6: {  	v6 =	vxor.u32 $0xFFFFFFFF, v6;
	v7 =	vand.u32 $0x1F, v7;
	v8 =	vshrl.u32 v8, $0x19  }
0x2a7: {  	v6 =	vshrl.u32 v6, $0x19;
	v8 =	vand.u32 $0x1F, v8  }
0x2a8: {  	v6 =	vand.u32 $0x1F, v6;
	_ =	sdelay $0x1  }
0x2a9: {  	[tilespmem:v5+s18+$0x0] =	vst.idx.add.s32.msk $0xffff, v2  }
0x2aa: {  	[tilespmem:v7+s18+$0x0] =	vst.idx.add.s32.msk $0xffff, v2  }
0x2ab: {  	[tilespmem:v8+s18+$0x0] =	vst.idx.add.s32.msk $0xffff, v2  }
0x2ac: {  	[tilespmem:v6+s18+$0x0] =	vst.idx.add.s32.msk $0xffff, v2  }
0x2ad: {  	v5 =	vld [tilespmem:$0x3E00];
	_ =	sdelay $0x2  }
0x2ae: {  	v6 =	vld [tilespmem:$0x3E10];
	_ =	sdelay $0x1  }
0x2af: {  	(xrf0) =	vadd.scan.msk.s32 $0xffff, v5;
	_ =	sdelay $0x2  }
0x2b0: {  	(xrf0) =	vadd.scan.msk.s32 $0xffff, v6;
	_ =	sdelay $0x2  }
0x2b1: {  	v7, _, _ =	vpop (xrf0)  }
0x2b2: {  	v8 =	vperm.xlane v7, v4;
	_ =	sdelay $0x1  }
0x2b3: {  	v5 =	vsub.s32 v7, v5;
	v7, _, _ =	vpop (xrf0);
	v6 =	vsub.s32 v8, v6  }
0x2b4: {  	[tilespmem:$0x3E80] =	vst v5;
	v5 =	vadd.s32 v7, v6  }
0x2b5: {  	s25 =	simm.s32 $0x0;
	[tilespmem:$0x3E90] =	vst v5  }
0x2b6: {  	v6 =	vld [tilespmem:s25+$0x3800]  }
0x2b7: {  	v5 =	vld [tilespmem:s25+$0x3A00];
	s25 =	simm.s32 $0x40  }
.LBB2_49:
0x2b8: {  	p1 =	sne.s32 s25, $0x7C0;
	_ =	sdelay $0x2  }
0x2b9: {  	v7 =	vxor.u32 $0xFFFFFFFF, v6  }
0x2ba: {  	v7 =	vshrl.u32 v7, $0x19  }
0x2bb: {  	v7 =	vand.u32 $0x1F, v7  }
0x2bc: {  	(xrf1) =	vunique.msk.u32 $0xffff, v7;
	_ =	sdelay $0x8  }
0x2bd: {  	v8 =	vld.idx.msk [tilespmem:v7+s19+$0x0], $0xffff;
	_ =	sdelay $0x4  }
0x2be: {  	_, v9, vm0 =	vpop (xrf1)  }
0x2bf: {  	v8 =	vadd.s32 v9, v8  }
0x2c0: {  	v8 =	vadd.s32 $0xFFFFFFFF, v8;
	_ =	sdelay $0x4  }
.Ltmp27:
0x2c1: {  	[tilespmem:v8+s22+$0x0] =	vst.idx.msk $0xffff, v6;
	(pc) =	sbr.rel @p1 .LBB2_49-.Ltmp27, $4  }
0x2c2: {  	[tilespmem:v8+s15+$0x0] =	vst.idx.msk $0xffff, v5  }
0x2c3: {  	s26 =	sshra.s32 s25, $0x2;
	[tilespmem:v7+s19+$0x0] =	vst.idx.add.s32.msk vm0, v9  }
0x2c4: {  	v6 =	vld [tilespmem:s26+$0x3800]  }
0x2c5: {  	s25 =	sadd.s32 $0x40, s25;
	v5 =	vld [tilespmem:s26+$0x3A00]  }
0x2c6: {  	_ =	sdelay $0x2  }
0x2c7: {  	v7 =	vxor.u32 $0xFFFFFFFF, v6  }
0x2c8: {  	v7 =	vshrl.u32 v7, $0x19  }
0x2c9: {  	v7 =	vand.u32 $0x1F, v7  }
0x2ca: {  	(xrf1) =	vunique.msk.u32 $0xffff, v7;
	_ =	sdelay $0x9  }
0x2cb: {  	v8 =	vld.idx.msk [tilespmem:v7+s19+$0x0], $0xffff;
	_ =	sdelay $0x3  }
0x2cc: {  	_, v9, vm0 =	vpop (xrf1)  }
0x2cd: {  	v8 =	vadd.s32 v9, v8  }
0x2ce: {  	v8 =	vadd.s32 $0xFFFFFFFF, v8;
	_ =	sdelay $0x4  }
0x2cf: {  	s24 =	sor.u32 s7, s24;
	[tilespmem:v8+s22+$0x0] =	vst.idx.msk $0xffff, v6  }
0x2d0: {  	s25 =	sshrl.u32 s24, $0x3;
	[tilespmem:v8+s15+$0x0] =	vst.idx.msk $0xffff, v5  }
0x2d1: {  	s24 =	simm.s32 $0x80;
	s26 =	sadd.s32 s2, s25;
	[tilespmem:v7+s19+$0x0] =	vst.idx.add.s32.msk vm0, v9  }
0x2d2: {  	[hbm4b:s26+s24] =	stream.strided.scatter [tilespmem:s22], [sflag:$0x1], $0x200, s11, s24, $0x38;
	[tilespmem:$0x3F00] =	vst v63  }
0x2d3: {  	_ =	swait.ge [sflag:s12], $0x200  }
0x2d4: {  	[sflag:s12] =	ssyncset.done $0x0  }
0x2d5: {  	s25 =	sadd.s32 s1, s25;
	[sflag:s12] =	ssyncadd.s32 $0xFFFFFE00  }
0x2d6: {  	[hbm4b:s25+s24] =	stream.strided.scatter [tilespmem:s15], [sflag:$0x1], $0x200, s11, s24, $0x38;
	[tilespmem:$0x3F00] =	vst v63  }
.Ltmp28:
0x2d7: {  	_ = 	snop;
	(pc) =	sbr.rel @p0 .LBB2_4-.Ltmp28, $4  }
.Ltmp29:
0x2d8: {  	_ = 	snop;
	(pc) =	sbr.rel @!p0 .LBB2_51-.Ltmp29, $4  }
0x2d9: {  	_ =	swait.ge [sflag:s12], $0x200  }
0x2da: {  	[sflag:s12] =	ssyncset.done $0x0  }
0x2db: {  	p1 =	por $0x0, $0x0;
	[sflag:s12] =	ssyncadd.s32 $0xFFFFFE00  }
0x2dc: {  	_ = 	snop  }
.LBB2_21:
.Ltmp30:
0x2dd: {  	(pc) =	sbr.rel .LBB2_25-.Ltmp30, $2  }
0x2de: {  	_ =	sdelay $0x2  }
0x2df: {  	s26 =	simm.s32 $0x0  }
.LBB2_23:
.Ltmp31:
0x2e0: {  	(pc) =	sbr.rel .LBB2_25-.Ltmp31, $2  }
0x2e1: {  	_ =	sdelay $0x2  }
0x2e2: {  	s26 =	simm.s32 $0x0  }
.LBB2_52:
0x2e3: {  	_ =	sfence.sel $0x180000  }
0x2e4: {  	[bflag:$0x0] =	sbarrier.arrive $0xFFFF  }
0x2e5: {  	p0 =	sne.s32 s4, $0x0;
	_ =	strace $0x90000047  }
0x2e6: {  	s0 =	sadd.s32 @!p0 $0x100000, s0;
	[bflag:$0x2] =	sbarrier.arrive $0xFFFF  }
0x2e7: {  	[sflag:s0] =	ssyncadd.tile.s32 @!p0 $0x1;
	_ =	shalt  }
.Lfunc_end2:
_tile_overlayer_lowered:
.L_overlay_start_2:
0x2e8: {  	(tag) =	ssettag $0x2  }
0x2e9: {  	s0 =	rddreg [dreg:$0x0];
	s2 =	stileid.u32  }
0x2ea: {  	s1 =	rddreg [dreg:$0x1];
	p0 =	sne.s32 s2, $0x0  }
0x2eb: {  	s3 =	rddreg [dreg:$0x2];
	[bflag:$0x3] =	sbarrier.arrive $0xFFFF;
	s2 =	simm.s32 @!p0 $0x1C01  }
0x2ec: {  	[timem:s3], [sflag:s2] =	dma.local @!p0 [hbm:s0], s1  }
0x2ed: {  	s0 =	simm.s32 @!p0 $0x1  }
0x2ee: {  	_ =	swait.ge @!p0 [sflag:s0], s1  }
0x2ef: {  	s1 =	ssub.s32 @!p0 $0x0, s1;
	[sflag:s0] =	ssyncset.done @!p0 $0x0  }
0x2f0: {  	[sflag:s0] =	ssyncadd.s32 @!p0 s1  }
0x2f1: {  	[bflag:$0x3] =	sbarrier.arrive $0xFFFF  }
0x2f2: {  	_ =	shalt  }

</sc_bundles>
